<compile_context>
chip_gen: v7x
topology: tpu7x:2x2x1
jax: 0.10.2.dev20260603
libtpu: 0.0.44.dev20260713+nightly
codegen_flags: <defaults>
</compile_context>

<pallas_src>
import jax
import jax.numpy as jnp
from jax import lax
from jax.experimental import pallas as pl
from jax.experimental.pallas import tpu as pltpu
from jax.experimental.pallas import tpu_sc as plsc

_ANCHORS = [0.02, 0.03, 0.05, 0.06, 0.12, 0.1]
_IGNORE_THRES = 0.5

_NB, _NA, _NR, _NC = 16, 3, 52, 52
_NT = 128
_CELLS = _NB * _NA * _NR * _NC
_NCORE, _NSUB = 2, 16
_NW = _NCORE * _NSUB
_SLAB = _CELLS // _NW
_SLAB_PAD = 4064
_NFILL = _SLAB_PAD // 16


def _sc_body(tgt_hbm, obj_hbm, noobj_hbm, bi_hbm, bn_hbm,
             tgt_v, obj_slab, noobj_slab, bi_v, bn_v):
    wid = lax.axis_index("s") * _NCORE + lax.axis_index("c")
    base = wid * _SLAB

    pltpu.sync_copy(tgt_hbm, tgt_v)

    zeros16 = jnp.zeros((16,), jnp.int32)
    ones16 = jnp.ones((16,), jnp.int32)

    def _fill(j, carry):
        obj_slab[pl.ds(j * 16, 16)] = zeros16
        noobj_slab[pl.ds(j * 16, 16)] = ones16
        return carry

    lax.fori_loop(0, _NFILL, _fill, 0)

    iot = lax.iota(jnp.int32, 16)
    anch = [(_ANCHORS[2 * a] * _NR, _ANCHORS[2 * a + 1] * _NC)
            for a in range(_NA)]

    for k in range(_NT // 16):
        flat = (k * 16 + iot) * 6
        t1 = plsc.load_gather(tgt_v, [flat + 1])
        tx = plsc.load_gather(tgt_v, [flat + 2])
        ty = plsc.load_gather(tgt_v, [flat + 3])
        tw = plsc.load_gather(tgt_v, [flat + 4])
        th = plsc.load_gather(tgt_v, [flat + 5])

        valid = t1 > -1.0
        gx = (tx * float(_NR)).astype(jnp.int32)
        gy = (ty * float(_NC)).astype(jnp.int32)
        w = tw * float(_NR)
        h = th * float(_NC)
        wh_area = w * h

        ious = []
        for aw, ah in anch:
            inter = jnp.minimum(jnp.float32(aw), w) * jnp.minimum(jnp.float32(ah), h)
            union = jnp.float32(aw * ah + 1e-16) + wh_area - inter
            ious.append(inter / union)
        best = jnp.maximum(jnp.maximum(ious[0], ious[1]), ious[2])
        bn = jnp.where(ious[0] == best, 0,
                       jnp.where(ious[1] == best, 1, 2)).astype(jnp.int32)

        bi_v[pl.ds(k * 16, 16)] = best
        bn_v[pl.ds(k * 16, 16)] = bn

        cell0 = iot * (_NA * _NR * _NC) + gx * _NC + gy

        loc = cell0 + bn * (_NR * _NC) - base
        m = valid & (loc >= 0) & (loc < _SLAB)
        plsc.store_scatter(obj_slab, [jnp.clip(loc, 0, _SLAB_PAD - 1)],
                           ones16, mask=m)

        for a in range(_NA):
            loca = cell0 + a * (_NR * _NC) - base
            ma = (valid & ((ious[a] > _IGNORE_THRES) | (bn == a))
                  & (loca >= 0) & (loca < _SLAB))
            plsc.store_scatter(noobj_slab, [jnp.clip(loca, 0, _SLAB_PAD - 1)],
                               zeros16, mask=ma)

    pltpu.sync_copy(obj_slab.at[pl.ds(0, _SLAB)],
                    obj_hbm.at[pl.ds(base, _SLAB)])
    pltpu.sync_copy(noobj_slab.at[pl.ds(0, _SLAB)],
                    noobj_hbm.at[pl.ds(base, _SLAB)])

    @pl.when(wid == 0)
    def _():
        pltpu.sync_copy(bi_v, bi_hbm)
        pltpu.sync_copy(bn_v, bn_hbm)


_sc_call = pl.kernel(
    _sc_body,
    mesh=plsc.VectorSubcoreMesh(core_axis_name="c", subcore_axis_name="s"),
    compiler_params=pltpu.CompilerParams(needs_layout_passes=False),
    out_type=[
        jax.ShapeDtypeStruct((_CELLS,), jnp.int32),
        jax.ShapeDtypeStruct((_CELLS,), jnp.int32),
        jax.ShapeDtypeStruct((_NT,), jnp.float32),
        jax.ShapeDtypeStruct((_NT,), jnp.int32),
    ],
    scratch_types=[
        pltpu.VMEM((_NT * 6,), jnp.float32),
        pltpu.VMEM((_SLAB_PAD,), jnp.int32),
        pltpu.VMEM((_SLAB_PAD,), jnp.int32),
        pltpu.VMEM((_NT,), jnp.float32),
        pltpu.VMEM((_NT,), jnp.int32),
    ],
)


def kernel(x, target):
    del x
    obj_i32, noobj_i32, best_ious, best_n = _sc_call(target.reshape(-1))
    obj = obj_i32.astype(jnp.uint8).reshape(_NB, _NA, _NR, _NC)
    noobj = noobj_i32.astype(jnp.uint8).reshape(_NB, _NA, _NR, _NC)
    return (obj, noobj, best_ious, best_n)

# --- scband reference (transcript-rebuilt; emitter-appended) ---
"""Pipeline reference for scband-yolo-loss-13967233647276 (READ-ONLY COPY).

The authoritative reference and input builder live on the scoring server;
editing this copy changes nothing except your own understanding.
"""

import jax, jax.numpy as jnp
import numpy as np

ANCHORS = [0.02, 0.03, 0.05, 0.06, 0.12, 0.1]
NUM_CLASS = 80
IGNORE_THRES = 0.5


def bbox_wh_iou(wh1, wh2):
    w1, h1 = wh1[0], wh1[1]
    w2, h2 = wh2[:, 0], wh2[:, 1]
    inter_area = jnp.minimum(w1, w2) * jnp.minimum(h1, h2)
    union_area = w1 * h1 + 1e-16 + w2 * h2 - inter_area
    return inter_area / union_area


def setup_inputs(seed: int = 0) -> dict:
    key = jax.random.key(seed)
    k1, k2 = jax.random.split(key)
    x = jax.random.normal(k1, (16, 510, 52, 52), dtype=jnp.float32)
    target = jax.random.uniform(k2, (128, 6), dtype=jnp.float32)
    return {"x": x, "target": target}


def reference(x, target):
    nBatch = x.shape[0]
    nAnchor = len(ANCHORS) // 2
    nRow, nCol = x.shape[-2], x.shape[-1]

    obj_mask = jnp.zeros((nBatch, nAnchor, nRow, nCol), dtype=jnp.uint8)
    noobj_mask = jnp.ones((nBatch, nAnchor, nRow, nCol), dtype=jnp.uint8)

    reps = target.shape[0] // nBatch
    instance_map = jnp.concatenate([jnp.arange(nBatch, dtype=jnp.float32) for _ in range(reps)])
    target = target.at[:, 0].set(instance_map)

    keep_mask = target[:, 1] > -1

    image_id = target[:, 0].astype(jnp.int32)
    image_id = jnp.where(keep_mask, image_id, nBatch)
    class_id = target[:, 1].astype(jnp.int32)
    grid_scale = jnp.array([nRow, nCol], dtype=jnp.float32)
    target_xy = target[:, 2:4] * grid_scale
    target_wh = target[:, 4:6] * grid_scale
    grid_xy = target_xy.astype(jnp.int32)

    anchors = jnp.array(ANCHORS, dtype=jnp.float32).reshape(nAnchor, 2) * grid_scale
    ious = jnp.stack([bbox_wh_iou(anchors[a], target_wh) for a in range(nAnchor)])
    best_ious = ious.max(axis=0)
    best_n = ious.argmax(axis=0)

    obj_mask = obj_mask.at[image_id, best_n, grid_xy[:, 0], grid_xy[:, 1]].set(1, mode="drop")
    noobj_mask = noobj_mask.at[image_id, best_n, grid_xy[:, 0], grid_xy[:, 1]].set(0, mode="drop")

    for i in range(ious.shape[1]):
        anchor_ious = ious[:, i]
        mask = anchor_ious > IGNORE_THRES
        cur = noobj_mask[image_id[i], :, grid_xy[i, 0], grid_xy[i, 1]]
        new = jnp.where(mask, jnp.zeros_like(cur), cur)
        noobj_mask = noobj_mask.at[image_id[i], :, grid_xy[i, 0], grid_xy[i, 1]].set(new, mode="drop")

    return (obj_mask, noobj_mask, best_ious, best_n)

if __name__ == "__main__":
    import jax
    _d = setup_inputs()
    print(jax.jit(kernel)(*tuple(_d.values())))

</pallas_src>

<mosaic_0001>
#map = affine_map<(d0, d1) -> (0)>
module attributes {stable_mosaic.version = 14 : i64} {
  func.func @_sc_body(%arg0: i32, %arg1: i32, %arg2: memref<768xf32, #tpu.memory_space<hbm>>, %arg3: memref<129792xi32, #tpu.memory_space<hbm>>, %arg4: memref<129792xi32, #tpu.memory_space<hbm>>, %arg5: memref<128xf32, #tpu.memory_space<hbm>>, %arg6: memref<128xi32, #tpu.memory_space<hbm>>, %arg7: memref<768xf32, #tpu.memory_space<vmem>>, %arg8: memref<4064xi32, #tpu.memory_space<vmem>>, %arg9: memref<4064xi32, #tpu.memory_space<vmem>>, %arg10: memref<128xf32, #tpu.memory_space<vmem>>, %arg11: memref<128xi32, #tpu.memory_space<vmem>>) attributes {dimension_semantics = [#tpu.dimension_semantics<core_parallel>, #tpu.dimension_semantics<subcore_parallel>], iteration_bounds = array<i64: 2, 16>, scalar_prefetch = 0 : i64, scratch_operands = 5 : i64, tpu.core_type = #tpu.core_type<sc_vector_subcore>, window_params = [{transform_indices = #map}, {transform_indices = #map}, {transform_indices = #map}, {transform_indices = #map}, {transform_indices = #map}]} {
    %mul3A = arith.constant 2 : i32
    %mul3A_0 = arith.muli %arg1, %mul3A : i32
    %add3A = arith.addi %mul3A_0, %arg0 : i32
    %mul3A_1 = arith.constant 4056 : i32
    %mul3A_2 = arith.muli %add3A, %mul3A_1 : i32
    "tpu.region"() ({
      %run_scoped3A = tpu.sem_alloc : memref<!tpu.dma_semaphore, #tpu.memory_space<semaphore_mem>>
      tpu.enqueue_dma source(%arg2 : memref<768xf32, #tpu.memory_space<hbm>>) target(%arg7 : memref<768xf32, #tpu.memory_space<vmem>>) target_semaphore(%run_scoped3A : memref<!tpu.dma_semaphore, #tpu.memory_space<semaphore_mem>>)
      tpu.wait_dma2 semaphore(%run_scoped3A : memref<!tpu.dma_semaphore, #tpu.memory_space<semaphore_mem>>) src(%arg2 : memref<768xf32, #tpu.memory_space<hbm>>) dst(%arg7 : memref<768xf32, #tpu.memory_space<vmem>>)
      tpu.yield
    }) : () -> ()
    %broadcast_in_dim3A = arith.constant 0 : i32
    %broadcast_in_dim3A_3 = vector.broadcast %broadcast_in_dim3A : i32 to vector<16xi32>
    %broadcast_in_dim3A_4 = arith.constant 1 : i32
    %broadcast_in_dim3A_5 = vector.broadcast %broadcast_in_dim3A_4 : i32 to vector<16xi32>
    %scan3A = arith.constant 0 : i32
    %scan3A_6 = arith.constant 0 : i32
    %scan3A_7 = arith.constant 254 : i32
    %scan3A_8 = arith.addi %scan3A_6, %scan3A_7 : i32
    %scan3A_9 = arith.constant 1 : i32
    scf.for %scan3A_1640 = %scan3A_6 to %scan3A_8 step %scan3A_9  : i32 {
      %mul3A_1641 = arith.constant 16 : i32
      %mul3A_1642 = arith.muli %scan3A_1640, %mul3A_1641 : i32
      %swap3A_1643 = arith.index_cast %mul3A_1642 : i32 to index
      %swap3A_1644 = tpu.vector_load %arg8[%swap3A_1643] {strides = array<i32>} : memref<4064xi32, #tpu.memory_space<vmem>>, vector<16xi32>,
      tpu.vector_store %arg8[%swap3A_1643], %broadcast_in_dim3A_3 {strides = array<i32>} : memref<4064xi32, #tpu.memory_space<vmem>>, vector<16xi32>,
      %mul3A_1645 = arith.constant 16 : i32
      %mul3A_1646 = arith.muli %scan3A_1640, %mul3A_1645 : i32
      %swap3A_1647 = arith.index_cast %mul3A_1646 : i32 to index
      %swap3A_1648 = tpu.vector_load %arg9[%swap3A_1647] {strides = array<i32>} : memref<4064xi32, #tpu.memory_space<vmem>>, vector<16xi32>,
      tpu.vector_store %arg9[%swap3A_1647], %broadcast_in_dim3A_5 {strides = array<i32>} : memref<4064xi32, #tpu.memory_space<vmem>>, vector<16xi32>,
    }
    %scan3A_10 = arith.constant 254 : i32
    %iota3A = tpu.iota {dimensions = array<i32: 0>} : vector<16xi32>
    %add3A_11 = arith.constant 0 : i32
    %add3A_12 = vector.broadcast %add3A_11 : i32 to vector<16xi32>
    %add3A_13 = arith.addi %add3A_12, %iota3A : vector<16xi32>
    %mul3A_14 = arith.constant 6 : i32
    %mul3A_15 = vector.broadcast %mul3A_14 : i32 to vector<16xi32>
    %mul3A_16 = arith.muli %add3A_13, %mul3A_15 : vector<16xi32>
    %add3A_17 = arith.constant 1 : i32
    %add3A_18 = vector.broadcast %add3A_17 : i32 to vector<16xi32>
    %add3A_19 = arith.addi %mul3A_16, %add3A_18 : vector<16xi32>
    %gather3A = tpu.vector_load_idx %arg7[%add3A_19] : memref<768xf32, #tpu.memory_space<vmem>>[vector<16xi32>], vector<16xf32>,
    %add3A_20 = arith.constant 2 : i32
    %add3A_21 = vector.broadcast %add3A_20 : i32 to vector<16xi32>
    %add3A_22 = arith.addi %mul3A_16, %add3A_21 : vector<16xi32>
    %gather3A_23 = tpu.vector_load_idx %arg7[%add3A_22] : memref<768xf32, #tpu.memory_space<vmem>>[vector<16xi32>], vector<16xf32>,
    %add3A_24 = arith.constant 3 : i32
    %add3A_25 = vector.broadcast %add3A_24 : i32 to vector<16xi32>
    %add3A_26 = arith.addi %mul3A_16, %add3A_25 : vector<16xi32>
    %gather3A_27 = tpu.vector_load_idx %arg7[%add3A_26] : memref<768xf32, #tpu.memory_space<vmem>>[vector<16xi32>], vector<16xf32>,
    %add3A_28 = arith.constant 4 : i32
    %add3A_29 = vector.broadcast %add3A_28 : i32 to vector<16xi32>
    %add3A_30 = arith.addi %mul3A_16, %add3A_29 : vector<16xi32>
    %gather3A_31 = tpu.vector_load_idx %arg7[%add3A_30] : memref<768xf32, #tpu.memory_space<vmem>>[vector<16xi32>], vector<16xf32>,
    %add3A_32 = arith.constant 5 : i32
    %add3A_33 = vector.broadcast %add3A_32 : i32 to vector<16xi32>
    %add3A_34 = arith.addi %mul3A_16, %add3A_33 : vector<16xi32>
    %gather3A_35 = tpu.vector_load_idx %arg7[%add3A_34] : memref<768xf32, #tpu.memory_space<vmem>>[vector<16xi32>], vector<16xf32>,
    %gt3A = arith.constant -1.000000e+00 : f32
    %gt3A_36 = vector.broadcast %gt3A : f32 to vector<16xf32>
    %gt3A_37 = arith.cmpf ogt, %gather3A, %gt3A_36 : vector<16xf32>
    %mul3A_38 = arith.constant 5.200000e+01 : f32
    %mul3A_39 = vector.broadcast %mul3A_38 : f32 to vector<16xf32>
    %mul3A_40 = arith.mulf %gather3A_23, %mul3A_39 : vector<16xf32>
    %convert_element_type3A = arith.fptosi %mul3A_40 : vector<16xf32> to vector<16xi32>
    %mul3A_41 = arith.constant 5.200000e+01 : f32
    %mul3A_42 = vector.broadcast %mul3A_41 : f32 to vector<16xf32>
    %mul3A_43 = arith.mulf %gather3A_27, %mul3A_42 : vector<16xf32>
    %convert_element_type3A_44 = arith.fptosi %mul3A_43 : vector<16xf32> to vector<16xi32>
    %mul3A_45 = arith.constant 5.200000e+01 : f32
    %mul3A_46 = vector.broadcast %mul3A_45 : f32 to vector<16xf32>
    %mul3A_47 = arith.mulf %gather3A_31, %mul3A_46 : vector<16xf32>
    %mul3A_48 = arith.constant 5.200000e+01 : f32
    %mul3A_49 = vector.broadcast %mul3A_48 : f32 to vector<16xf32>
    %mul3A_50 = arith.mulf %gather3A_35, %mul3A_49 : vector<16xf32>
    %mul3A_51 = arith.mulf %mul3A_47, %mul3A_50 : vector<16xf32>
    %min3A = arith.constant 1.040000e+00 : f32
    %min3A_52 = vector.broadcast %min3A : f32 to vector<16xf32>
    %min3A_53 = arith.minimumf %min3A_52, %mul3A_47 : vector<16xf32>
    %min3A_54 = arith.constant 1.560000e+00 : f32
    %min3A_55 = vector.broadcast %min3A_54 : f32 to vector<16xf32>
    %min3A_56 = arith.minimumf %min3A_55, %mul3A_50 : vector<16xf32>
    %mul3A_57 = arith.mulf %min3A_53, %min3A_56 : vector<16xf32>
    %add3A_58 = arith.constant 1.622400e+00 : f32
    %add3A_59 = vector.broadcast %add3A_58 : f32 to vector<16xf32>
    %add3A_60 = arith.addf %add3A_59, %mul3A_51 : vector<16xf32>
    %sub3A = arith.subf %add3A_60, %mul3A_57 : vector<16xf32>
    %div3A = arith.divf %mul3A_57, %sub3A : vector<16xf32>
    %min3A_61 = arith.constant 2.600000e+00 : f32
    %min3A_62 = vector.broadcast %min3A_61 : f32 to vector<16xf32>
    %min3A_63 = arith.minimumf %min3A_62, %mul3A_47 : vector<16xf32>
    %min3A_64 = arith.constant 3.120000e+00 : f32
    %min3A_65 = vector.broadcast %min3A_64 : f32 to vector<16xf32>
    %min3A_66 = arith.minimumf %min3A_65, %mul3A_50 : vector<16xf32>
    %mul3A_67 = arith.mulf %min3A_63, %min3A_66 : vector<16xf32>
    %add3A_68 = arith.constant 8.112000e+00 : f32
    %add3A_69 = vector.broadcast %add3A_68 : f32 to vector<16xf32>
    %add3A_70 = arith.addf %add3A_69, %mul3A_51 : vector<16xf32>
    %sub3A_71 = arith.subf %add3A_70, %mul3A_67 : vector<16xf32>
    %div3A_72 = arith.divf %mul3A_67, %sub3A_71 : vector<16xf32>
    %min3A_73 = arith.constant 6.240000e+00 : f32
    %min3A_74 = vector.broadcast %min3A_73 : f32 to vector<16xf32>
    %min3A_75 = arith.minimumf %min3A_74, %mul3A_47 : vector<16xf32>
    %min3A_76 = arith.constant 5.200000e+00 : f32
    %min3A_77 = vector.broadcast %min3A_76 : f32 to vector<16xf32>
    %min3A_78 = arith.minimumf %min3A_77, %mul3A_50 : vector<16xf32>
    %mul3A_79 = arith.mulf %min3A_75, %min3A_78 : vector<16xf32>
    %add3A_80 = arith.constant 3.244800e+01 : f32
    %add3A_81 = vector.broadcast %add3A_80 : f32 to vector<16xf32>
    %add3A_82 = arith.addf %add3A_81, %mul3A_51 : vector<16xf32>
    %sub3A_83 = arith.subf %add3A_82, %mul3A_79 : vector<16xf32>
    %div3A_84 = arith.divf %mul3A_79, %sub3A_83 : vector<16xf32>
    %max3A = arith.maximumf %div3A, %div3A_72 : vector<16xf32>
    %max3A_85 = arith.maximumf %max3A, %div3A_84 : vector<16xf32>
    %eq3A = arith.cmpf oeq, %div3A, %max3A_85 : vector<16xf32>
    %eq3A_86 = arith.cmpf oeq, %div3A_72, %max3A_85 : vector<16xf32>
    %jit3A = arith.constant 1 : i32
    %jit3A_87 = arith.constant 2 : i32
    %broadcast_in_dim3A_88 = vector.broadcast %jit3A : i32 to vector<16xi32>
    %broadcast_in_dim3A_89 = vector.broadcast %jit3A_87 : i32 to vector<16xi32>
    %select_n3A = arith.select %eq3A_86, %broadcast_in_dim3A_88, %broadcast_in_dim3A_89 : vector<16xi1>, vector<16xi32>
    %jit3A_90 = arith.constant 0 : i32
    %broadcast_in_dim3A_91 = vector.broadcast %jit3A_90 : i32 to vector<16xi32>
    %select_n3A_92 = arith.select %eq3A, %broadcast_in_dim3A_91, %select_n3A : vector<16xi1>, vector<16xi32>
    %swap3A = arith.constant 0 : index
    %swap3A_93 = tpu.vector_load %arg10[%swap3A] {strides = array<i32>} : memref<128xf32, #tpu.memory_space<vmem>>, vector<16xf32>,
    tpu.vector_store %arg10[%swap3A], %max3A_85 {strides = array<i32>} : memref<128xf32, #tpu.memory_space<vmem>>, vector<16xf32>,
    %swap3A_94 = arith.constant 0 : index
    %swap3A_95 = tpu.vector_load %arg11[%swap3A_94] {strides = array<i32>} : memref<128xi32, #tpu.memory_space<vmem>>, vector<16xi32>,
    tpu.vector_store %arg11[%swap3A_94], %select_n3A_92 {strides = array<i32>} : memref<128xi32, #tpu.memory_space<vmem>>, vector<16xi32>,
    %mul3A_96 = arith.constant 8112 : i32
    %mul3A_97 = vector.broadcast %mul3A_96 : i32 to vector<16xi32>
    %mul3A_98 = arith.muli %iota3A, %mul3A_97 : vector<16xi32>
    %mul3A_99 = arith.constant 52 : i32
    %mul3A_100 = vector.broadcast %mul3A_99 : i32 to vector<16xi32>
    %mul3A_101 = arith.muli %convert_element_type3A, %mul3A_100 : vector<16xi32>
    %add3A_102 = arith.addi %mul3A_98, %mul3A_101 : vector<16xi32>
    %add3A_103 = arith.addi %add3A_102, %convert_element_type3A_44 : vector<16xi32>
    %mul3A_104 = arith.constant 2704 : i32
    %mul3A_105 = vector.broadcast %mul3A_104 : i32 to vector<16xi32>
    %mul3A_106 = arith.muli %select_n3A_92, %mul3A_105 : vector<16xi32>
    %add3A_107 = arith.addi %add3A_103, %mul3A_106 : vector<16xi32>
    %sub3A_108 = vector.broadcast %mul3A_2 : i32 to vector<16xi32>
    %sub3A_109 = arith.subi %add3A_107, %sub3A_108 : vector<16xi32>
    %ge3A = arith.constant 0 : i32
    %ge3A_110 = vector.broadcast %ge3A : i32 to vector<16xi32>
    %ge3A_111 = arith.cmpi sge, %sub3A_109, %ge3A_110 : vector<16xi32>
    %and3A = arith.andi %gt3A_37, %ge3A_111 : vector<16xi1>
    %lt3A = arith.constant 4056 : i32
    %lt3A_112 = vector.broadcast %lt3A : i32 to vector<16xi32>
    %lt3A_113 = arith.cmpi slt, %sub3A_109, %lt3A_112 : vector<16xi32>
    %and3A_114 = arith.andi %and3A, %lt3A_113 : vector<16xi1>
    %jit3A_115 = arith.constant 0 : i32
    %jit3A_116 = arith.constant 4063 : i32
    %max3A_117 = vector.broadcast %jit3A_115 : i32 to vector<16xi32>
    %max3A_118 = arith.maxsi %max3A_117, %sub3A_109 : vector<16xi32>
    %min3A_119 = vector.broadcast %jit3A_116 : i32 to vector<16xi32>
    %min3A_120 = arith.minsi %min3A_119, %max3A_118 : vector<16xi32>
    tpu.vector_store_idx %arg8[%min3A_120], %broadcast_in_dim3A_5 masked %and3A_114 : memref<4064xi32, #tpu.memory_space<vmem>>[vector<16xi32>], vector<16xi32>, vector<16xi1>
    %add3A_121 = arith.constant 0 : i32
    %add3A_122 = vector.broadcast %add3A_121 : i32 to vector<16xi32>
    %add3A_123 = arith.addi %add3A_103, %add3A_122 : vector<16xi32>
    %sub3A_124 = vector.broadcast %mul3A_2 : i32 to vector<16xi32>
    %sub3A_125 = arith.subi %add3A_123, %sub3A_124 : vector<16xi32>
    %gt3A_126 = arith.constant 5.000000e-01 : f32
    %gt3A_127 = vector.broadcast %gt3A_126 : f32 to vector<16xf32>
    %gt3A_128 = arith.cmpf ogt, %div3A, %gt3A_127 : vector<16xf32>
    %eq3A_129 = arith.constant 0 : i32
    %eq3A_130 = vector.broadcast %eq3A_129 : i32 to vector<16xi32>
    %eq3A_131 = arith.cmpi eq, %select_n3A_92, %eq3A_130 : vector<16xi32>
    %or3A = arith.ori %gt3A_128, %eq3A_131 : vector<16xi1>
    %and3A_132 = arith.andi %gt3A_37, %or3A : vector<16xi1>
    %ge3A_133 = arith.constant 0 : i32
    %ge3A_134 = vector.broadcast %ge3A_133 : i32 to vector<16xi32>
    %ge3A_135 = arith.cmpi sge, %sub3A_125, %ge3A_134 : vector<16xi32>
    %and3A_136 = arith.andi %and3A_132, %ge3A_135 : vector<16xi1>
    %lt3A_137 = arith.constant 4056 : i32
    %lt3A_138 = vector.broadcast %lt3A_137 : i32 to vector<16xi32>
    %lt3A_139 = arith.cmpi slt, %sub3A_125, %lt3A_138 : vector<16xi32>
    %and3A_140 = arith.andi %and3A_136, %lt3A_139 : vector<16xi1>
    %jit3A_141 = arith.constant 0 : i32
    %jit3A_142 = arith.constant 4063 : i32
    %max3A_143 = vector.broadcast %jit3A_141 : i32 to vector<16xi32>
    %max3A_144 = arith.maxsi %max3A_143, %sub3A_125 : vector<16xi32>
    %min3A_145 = vector.broadcast %jit3A_142 : i32 to vector<16xi32>
    %min3A_146 = arith.minsi %min3A_145, %max3A_144 : vector<16xi32>
    tpu.vector_store_idx %arg9[%min3A_146], %broadcast_in_dim3A_3 masked %and3A_140 : memref<4064xi32, #tpu.memory_space<vmem>>[vector<16xi32>], vector<16xi32>, vector<16xi1>
    %add3A_147 = arith.constant 2704 : i32
    %add3A_148 = vector.broadcast %add3A_147 : i32 to vector<16xi32>
    %add3A_149 = arith.addi %add3A_103, %add3A_148 : vector<16xi32>
    %sub3A_150 = vector.broadcast %mul3A_2 : i32 to vector<16xi32>
    %sub3A_151 = arith.subi %add3A_149, %sub3A_150 : vector<16xi32>
    %gt3A_152 = arith.constant 5.000000e-01 : f32
    %gt3A_153 = vector.broadcast %gt3A_152 : f32 to vector<16xf32>
    %gt3A_154 = arith.cmpf ogt, %div3A_72, %gt3A_153 : vector<16xf32>
    %eq3A_155 = arith.constant 1 : i32
    %eq3A_156 = vector.broadcast %eq3A_155 : i32 to vector<16xi32>
    %eq3A_157 = arith.cmpi eq, %select_n3A_92, %eq3A_156 : vector<16xi32>
    %or3A_158 = arith.ori %gt3A_154, %eq3A_157 : vector<16xi1>
    %and3A_159 = arith.andi %gt3A_37, %or3A_158 : vector<16xi1>
    %ge3A_160 = arith.constant 0 : i32
    %ge3A_161 = vector.broadcast %ge3A_160 : i32 to vector<16xi32>
    %ge3A_162 = arith.cmpi sge, %sub3A_151, %ge3A_161 : vector<16xi32>
    %and3A_163 = arith.andi %and3A_159, %ge3A_162 : vector<16xi1>
    %lt3A_164 = arith.constant 4056 : i32
    %lt3A_165 = vector.broadcast %lt3A_164 : i32 to vector<16xi32>
    %lt3A_166 = arith.cmpi slt, %sub3A_151, %lt3A_165 : vector<16xi32>
    %and3A_167 = arith.andi %and3A_163, %lt3A_166 : vector<16xi1>
    %jit3A_168 = arith.constant 0 : i32
    %jit3A_169 = arith.constant 4063 : i32
    %max3A_170 = vector.broadcast %jit3A_168 : i32 to vector<16xi32>
    %max3A_171 = arith.maxsi %max3A_170, %sub3A_151 : vector<16xi32>
    %min3A_172 = vector.broadcast %jit3A_169 : i32 to vector<16xi32>
    %min3A_173 = arith.minsi %min3A_172, %max3A_171 : vector<16xi32>
    tpu.vector_store_idx %arg9[%min3A_173], %broadcast_in_dim3A_3 masked %and3A_167 : memref<4064xi32, #tpu.memory_space<vmem>>[vector<16xi32>], vector<16xi32>, vector<16xi1>
    %add3A_174 = arith.constant 5408 : i32
    %add3A_175 = vector.broadcast %add3A_174 : i32 to vector<16xi32>
    %add3A_176 = arith.addi %add3A_103, %add3A_175 : vector<16xi32>
    %sub3A_177 = vector.broadcast %mul3A_2 : i32 to vector<16xi32>
    %sub3A_178 = arith.subi %add3A_176, %sub3A_177 : vector<16xi32>
    %gt3A_179 = arith.constant 5.000000e-01 : f32
    %gt3A_180 = vector.broadcast %gt3A_179 : f32 to vector<16xf32>
    %gt3A_181 = arith.cmpf ogt, %div3A_84, %gt3A_180 : vector<16xf32>
    %eq3A_182 = arith.constant 2 : i32
    %eq3A_183 = vector.broadcast %eq3A_182 : i32 to vector<16xi32>
    %eq3A_184 = arith.cmpi eq, %select_n3A_92, %eq3A_183 : vector<16xi32>
    %or3A_185 = arith.ori %gt3A_181, %eq3A_184 : vector<16xi1>
    %and3A_186 = arith.andi %gt3A_37, %or3A_185 : vector<16xi1>
    %ge3A_187 = arith.constant 0 : i32
    %ge3A_188 = vector.broadcast %ge3A_187 : i32 to vector<16xi32>
    %ge3A_189 = arith.cmpi sge, %sub3A_178, %ge3A_188 : vector<16xi32>
    %and3A_190 = arith.andi %and3A_186, %ge3A_189 : vector<16xi1>
    %lt3A_191 = arith.constant 4056 : i32
    %lt3A_192 = vector.broadcast %lt3A_191 : i32 to vector<16xi32>
    %lt3A_193 = arith.cmpi slt, %sub3A_178, %lt3A_192 : vector<16xi32>
    %and3A_194 = arith.andi %and3A_190, %lt3A_193 : vector<16xi1>
    %jit3A_195 = arith.constant 0 : i32
    %jit3A_196 = arith.constant 4063 : i32
    %max3A_197 = vector.broadcast %jit3A_195 : i32 to vector<16xi32>
    %max3A_198 = arith.maxsi %max3A_197, %sub3A_178 : vector<16xi32>
    %min3A_199 = vector.broadcast %jit3A_196 : i32 to vector<16xi32>
    %min3A_200 = arith.minsi %min3A_199, %max3A_198 : vector<16xi32>
    tpu.vector_store_idx %arg9[%min3A_200], %broadcast_in_dim3A_3 masked %and3A_194 : memref<4064xi32, #tpu.memory_space<vmem>>[vector<16xi32>], vector<16xi32>, vector<16xi1>
    %add3A_201 = arith.constant 16 : i32
    %add3A_202 = vector.broadcast %add3A_201 : i32 to vector<16xi32>
    %add3A_203 = arith.addi %add3A_202, %iota3A : vector<16xi32>
    %mul3A_204 = arith.constant 6 : i32
    %mul3A_205 = vector.broadcast %mul3A_204 : i32 to vector<16xi32>
    %mul3A_206 = arith.muli %add3A_203, %mul3A_205 : vector<16xi32>
    %add3A_207 = arith.constant 1 : i32
    %add3A_208 = vector.broadcast %add3A_207 : i32 to vector<16xi32>
    %add3A_209 = arith.addi %mul3A_206, %add3A_208 : vector<16xi32>
    %gather3A_210 = tpu.vector_load_idx %arg7[%add3A_209] : memref<768xf32, #tpu.memory_space<vmem>>[vector<16xi32>], vector<16xf32>,
    %add3A_211 = arith.constant 2 : i32
    %add3A_212 = vector.broadcast %add3A_211 : i32 to vector<16xi32>
    %add3A_213 = arith.addi %mul3A_206, %add3A_212 : vector<16xi32>
    %gather3A_214 = tpu.vector_load_idx %arg7[%add3A_213] : memref<768xf32, #tpu.memory_space<vmem>>[vector<16xi32>], vector<16xf32>,
    %add3A_215 = arith.constant 3 : i32
    %add3A_216 = vector.broadcast %add3A_215 : i32 to vector<16xi32>
    %add3A_217 = arith.addi %mul3A_206, %add3A_216 : vector<16xi32>
    %gather3A_218 = tpu.vector_load_idx %arg7[%add3A_217] : memref<768xf32, #tpu.memory_space<vmem>>[vector<16xi32>], vector<16xf32>,
    %add3A_219 = arith.constant 4 : i32
    %add3A_220 = vector.broadcast %add3A_219 : i32 to vector<16xi32>
    %add3A_221 = arith.addi %mul3A_206, %add3A_220 : vector<16xi32>
    %gather3A_222 = tpu.vector_load_idx %arg7[%add3A_221] : memref<768xf32, #tpu.memory_space<vmem>>[vector<16xi32>], vector<16xf32>,
    %add3A_223 = arith.constant 5 : i32
    %add3A_224 = vector.broadcast %add3A_223 : i32 to vector<16xi32>
    %add3A_225 = arith.addi %mul3A_206, %add3A_224 : vector<16xi32>
    %gather3A_226 = tpu.vector_load_idx %arg7[%add3A_225] : memref<768xf32, #tpu.memory_space<vmem>>[vector<16xi32>], vector<16xf32>,
    %gt3A_227 = arith.constant -1.000000e+00 : f32
    %gt3A_228 = vector.broadcast %gt3A_227 : f32 to vector<16xf32>
    %gt3A_229 = arith.cmpf ogt, %gather3A_210, %gt3A_228 : vector<16xf32>
    %mul3A_230 = arith.constant 5.200000e+01 : f32
    %mul3A_231 = vector.broadcast %mul3A_230 : f32 to vector<16xf32>
    %mul3A_232 = arith.mulf %gather3A_214, %mul3A_231 : vector<16xf32>
    %convert_element_type3A_233 = arith.fptosi %mul3A_232 : vector<16xf32> to vector<16xi32>
    %mul3A_234 = arith.constant 5.200000e+01 : f32
    %mul3A_235 = vector.broadcast %mul3A_234 : f32 to vector<16xf32>
    %mul3A_236 = arith.mulf %gather3A_218, %mul3A_235 : vector<16xf32>
    %convert_element_type3A_237 = arith.fptosi %mul3A_236 : vector<16xf32> to vector<16xi32>
    %mul3A_238 = arith.constant 5.200000e+01 : f32
    %mul3A_239 = vector.broadcast %mul3A_238 : f32 to vector<16xf32>
    %mul3A_240 = arith.mulf %gather3A_222, %mul3A_239 : vector<16xf32>
    %mul3A_241 = arith.constant 5.200000e+01 : f32
    %mul3A_242 = vector.broadcast %mul3A_241 : f32 to vector<16xf32>
    %mul3A_243 = arith.mulf %gather3A_226, %mul3A_242 : vector<16xf32>
    %mul3A_244 = arith.mulf %mul3A_240, %mul3A_243 : vector<16xf32>
    %min3A_245 = arith.constant 1.040000e+00 : f32
    %min3A_246 = vector.broadcast %min3A_245 : f32 to vector<16xf32>
    %min3A_247 = arith.minimumf %min3A_246, %mul3A_240 : vector<16xf32>
    %min3A_248 = arith.constant 1.560000e+00 : f32
    %min3A_249 = vector.broadcast %min3A_248 : f32 to vector<16xf32>
    %min3A_250 = arith.minimumf %min3A_249, %mul3A_243 : vector<16xf32>
    %mul3A_251 = arith.mulf %min3A_247, %min3A_250 : vector<16xf32>
    %add3A_252 = arith.constant 1.622400e+00 : f32
    %add3A_253 = vector.broadcast %add3A_252 : f32 to vector<16xf32>
    %add3A_254 = arith.addf %add3A_253, %mul3A_244 : vector<16xf32>
    %sub3A_255 = arith.subf %add3A_254, %mul3A_251 : vector<16xf32>
    %div3A_256 = arith.divf %mul3A_251, %sub3A_255 : vector<16xf32>
    %min3A_257 = arith.constant 2.600000e+00 : f32
    %min3A_258 = vector.broadcast %min3A_257 : f32 to vector<16xf32>
    %min3A_259 = arith.minimumf %min3A_258, %mul3A_240 : vector<16xf32>
    %min3A_260 = arith.constant 3.120000e+00 : f32
    %min3A_261 = vector.broadcast %min3A_260 : f32 to vector<16xf32>
    %min3A_262 = arith.minimumf %min3A_261, %mul3A_243 : vector<16xf32>
    %mul3A_263 = arith.mulf %min3A_259, %min3A_262 : vector<16xf32>
    %add3A_264 = arith.constant 8.112000e+00 : f32
    %add3A_265 = vector.broadcast %add3A_264 : f32 to vector<16xf32>
    %add3A_266 = arith.addf %add3A_265, %mul3A_244 : vector<16xf32>
    %sub3A_267 = arith.subf %add3A_266, %mul3A_263 : vector<16xf32>
    %div3A_268 = arith.divf %mul3A_263, %sub3A_267 : vector<16xf32>
    %min3A_269 = arith.constant 6.240000e+00 : f32
    %min3A_270 = vector.broadcast %min3A_269 : f32 to vector<16xf32>
    %min3A_271 = arith.minimumf %min3A_270, %mul3A_240 : vector<16xf32>
    %min3A_272 = arith.constant 5.200000e+00 : f32
    %min3A_273 = vector.broadcast %min3A_272 : f32 to vector<16xf32>
    %min3A_274 = arith.minimumf %min3A_273, %mul3A_243 : vector<16xf32>
    %mul3A_275 = arith.mulf %min3A_271, %min3A_274 : vector<16xf32>
    %add3A_276 = arith.constant 3.244800e+01 : f32
    %add3A_277 = vector.broadcast %add3A_276 : f32 to vector<16xf32>
    %add3A_278 = arith.addf %add3A_277, %mul3A_244 : vector<16xf32>
    %sub3A_279 = arith.subf %add3A_278, %mul3A_275 : vector<16xf32>
    %div3A_280 = arith.divf %mul3A_275, %sub3A_279 : vector<16xf32>
    %max3A_281 = arith.maximumf %div3A_256, %div3A_268 : vector<16xf32>
    %max3A_282 = arith.maximumf %max3A_281, %div3A_280 : vector<16xf32>
    %eq3A_283 = arith.cmpf oeq, %div3A_256, %max3A_282 : vector<16xf32>
    %eq3A_284 = arith.cmpf oeq, %div3A_268, %max3A_282 : vector<16xf32>
    %jit3A_285 = arith.constant 1 : i32
    %jit3A_286 = arith.constant 2 : i32
    %broadcast_in_dim3A_287 = vector.broadcast %jit3A_285 : i32 to vector<16xi32>
    %broadcast_in_dim3A_288 = vector.broadcast %jit3A_286 : i32 to vector<16xi32>
    %select_n3A_289 = arith.select %eq3A_284, %broadcast_in_dim3A_287, %broadcast_in_dim3A_288 : vector<16xi1>, vector<16xi32>
    %jit3A_290 = arith.constant 0 : i32
    %broadcast_in_dim3A_291 = vector.broadcast %jit3A_290 : i32 to vector<16xi32>
    %select_n3A_292 = arith.select %eq3A_283, %broadcast_in_dim3A_291, %select_n3A_289 : vector<16xi1>, vector<16xi32>
    %swap3A_293 = arith.constant 16 : index
    %swap3A_294 = tpu.vector_load %arg10[%swap3A_293] {strides = array<i32>} : memref<128xf32, #tpu.memory_space<vmem>>, vector<16xf32>,
    tpu.vector_store %arg10[%swap3A_293], %max3A_282 {strides = array<i32>} : memref<128xf32, #tpu.memory_space<vmem>>, vector<16xf32>,
    %swap3A_295 = arith.constant 16 : index
    %swap3A_296 = tpu.vector_load %arg11[%swap3A_295] {strides = array<i32>} : memref<128xi32, #tpu.memory_space<vmem>>, vector<16xi32>,
    tpu.vector_store %arg11[%swap3A_295], %select_n3A_292 {strides = array<i32>} : memref<128xi32, #tpu.memory_space<vmem>>, vector<16xi32>,
    %mul3A_297 = arith.constant 8112 : i32
    %mul3A_298 = vector.broadcast %mul3A_297 : i32 to vector<16xi32>
    %mul3A_299 = arith.muli %iota3A, %mul3A_298 : vector<16xi32>
    %mul3A_300 = arith.constant 52 : i32
    %mul3A_301 = vector.broadcast %mul3A_300 : i32 to vector<16xi32>
    %mul3A_302 = arith.muli %convert_element_type3A_233, %mul3A_301 : vector<16xi32>
    %add3A_303 = arith.addi %mul3A_299, %mul3A_302 : vector<16xi32>
    %add3A_304 = arith.addi %add3A_303, %convert_element_type3A_237 : vector<16xi32>
    %mul3A_305 = arith.constant 2704 : i32
    %mul3A_306 = vector.broadcast %mul3A_305 : i32 to vector<16xi32>
    %mul3A_307 = arith.muli %select_n3A_292, %mul3A_306 : vector<16xi32>
    %add3A_308 = arith.addi %add3A_304, %mul3A_307 : vector<16xi32>
    %sub3A_309 = vector.broadcast %mul3A_2 : i32 to vector<16xi32>
    %sub3A_310 = arith.subi %add3A_308, %sub3A_309 : vector<16xi32>
    %ge3A_311 = arith.constant 0 : i32
    %ge3A_312 = vector.broadcast %ge3A_311 : i32 to vector<16xi32>
    %ge3A_313 = arith.cmpi sge, %sub3A_310, %ge3A_312 : vector<16xi32>
    %and3A_314 = arith.andi %gt3A_229, %ge3A_313 : vector<16xi1>
    %lt3A_315 = arith.constant 4056 : i32
    %lt3A_316 = vector.broadcast %lt3A_315 : i32 to vector<16xi32>
    %lt3A_317 = arith.cmpi slt, %sub3A_310, %lt3A_316 : vector<16xi32>
    %and3A_318 = arith.andi %and3A_314, %lt3A_317 : vector<16xi1>
    %jit3A_319 = arith.constant 0 : i32
    %jit3A_320 = arith.constant 4063 : i32
    %max3A_321 = vector.broadcast %jit3A_319 : i32 to vector<16xi32>
    %max3A_322 = arith.maxsi %max3A_321, %sub3A_310 : vector<16xi32>
    %min3A_323 = vector.broadcast %jit3A_320 : i32 to vector<16xi32>
    %min3A_324 = arith.minsi %min3A_323, %max3A_322 : vector<16xi32>
    tpu.vector_store_idx %arg8[%min3A_324], %broadcast_in_dim3A_5 masked %and3A_318 : memref<4064xi32, #tpu.memory_space<vmem>>[vector<16xi32>], vector<16xi32>, vector<16xi1>
    %add3A_325 = arith.constant 0 : i32
    %add3A_326 = vector.broadcast %add3A_325 : i32 to vector<16xi32>
    %add3A_327 = arith.addi %add3A_304, %add3A_326 : vector<16xi32>
    %sub3A_328 = vector.broadcast %mul3A_2 : i32 to vector<16xi32>
    %sub3A_329 = arith.subi %add3A_327, %sub3A_328 : vector<16xi32>
    %gt3A_330 = arith.constant 5.000000e-01 : f32
    %gt3A_331 = vector.broadcast %gt3A_330 : f32 to vector<16xf32>
    %gt3A_332 = arith.cmpf ogt, %div3A_256, %gt3A_331 : vector<16xf32>
    %eq3A_333 = arith.constant 0 : i32
    %eq3A_334 = vector.broadcast %eq3A_333 : i32 to vector<16xi32>
    %eq3A_335 = arith.cmpi eq, %select_n3A_292, %eq3A_334 : vector<16xi32>
    %or3A_336 = arith.ori %gt3A_332, %eq3A_335 : vector<16xi1>
    %and3A_337 = arith.andi %gt3A_229, %or3A_336 : vector<16xi1>
    %ge3A_338 = arith.constant 0 : i32
    %ge3A_339 = vector.broadcast %ge3A_338 : i32 to vector<16xi32>
    %ge3A_340 = arith.cmpi sge, %sub3A_329, %ge3A_339 : vector<16xi32>
    %and3A_341 = arith.andi %and3A_337, %ge3A_340 : vector<16xi1>
    %lt3A_342 = arith.constant 4056 : i32
    %lt3A_343 = vector.broadcast %lt3A_342 : i32 to vector<16xi32>
    %lt3A_344 = arith.cmpi slt, %sub3A_329, %lt3A_343 : vector<16xi32>
    %and3A_345 = arith.andi %and3A_341, %lt3A_344 : vector<16xi1>
    %jit3A_346 = arith.constant 0 : i32
    %jit3A_347 = arith.constant 4063 : i32
    %max3A_348 = vector.broadcast %jit3A_346 : i32 to vector<16xi32>
    %max3A_349 = arith.maxsi %max3A_348, %sub3A_329 : vector<16xi32>
    %min3A_350 = vector.broadcast %jit3A_347 : i32 to vector<16xi32>
    %min3A_351 = arith.minsi %min3A_350, %max3A_349 : vector<16xi32>
    tpu.vector_store_idx %arg9[%min3A_351], %broadcast_in_dim3A_3 masked %and3A_345 : memref<4064xi32, #tpu.memory_space<vmem>>[vector<16xi32>], vector<16xi32>, vector<16xi1>
    %add3A_352 = arith.constant 2704 : i32
    %add3A_353 = vector.broadcast %add3A_352 : i32 to vector<16xi32>
    %add3A_354 = arith.addi %add3A_304, %add3A_353 : vector<16xi32>
    %sub3A_355 = vector.broadcast %mul3A_2 : i32 to vector<16xi32>
    %sub3A_356 = arith.subi %add3A_354, %sub3A_355 : vector<16xi32>
    %gt3A_357 = arith.constant 5.000000e-01 : f32
    %gt3A_358 = vector.broadcast %gt3A_357 : f32 to vector<16xf32>
    %gt3A_359 = arith.cmpf ogt, %div3A_268, %gt3A_358 : vector<16xf32>
    %eq3A_360 = arith.constant 1 : i32
    %eq3A_361 = vector.broadcast %eq3A_360 : i32 to vector<16xi32>
    %eq3A_362 = arith.cmpi eq, %select_n3A_292, %eq3A_361 : vector<16xi32>
    %or3A_363 = arith.ori %gt3A_359, %eq3A_362 : vector<16xi1>
    %and3A_364 = arith.andi %gt3A_229, %or3A_363 : vector<16xi1>
    %ge3A_365 = arith.constant 0 : i32
    %ge3A_366 = vector.broadcast %ge3A_365 : i32 to vector<16xi32>
    %ge3A_367 = arith.cmpi sge, %sub3A_356, %ge3A_366 : vector<16xi32>
    %and3A_368 = arith.andi %and3A_364, %ge3A_367 : vector<16xi1>
    %lt3A_369 = arith.constant 4056 : i32
    %lt3A_370 = vector.broadcast %lt3A_369 : i32 to vector<16xi32>
    %lt3A_371 = arith.cmpi slt, %sub3A_356, %lt3A_370 : vector<16xi32>
    %and3A_372 = arith.andi %and3A_368, %lt3A_371 : vector<16xi1>
    %jit3A_373 = arith.constant 0 : i32
    %jit3A_374 = arith.constant 4063 : i32
    %max3A_375 = vector.broadcast %jit3A_373 : i32 to vector<16xi32>
    %max3A_376 = arith.maxsi %max3A_375, %sub3A_356 : vector<16xi32>
    %min3A_377 = vector.broadcast %jit3A_374 : i32 to vector<16xi32>
    %min3A_378 = arith.minsi %min3A_377, %max3A_376 : vector<16xi32>
    tpu.vector_store_idx %arg9[%min3A_378], %broadcast_in_dim3A_3 masked %and3A_372 : memref<4064xi32, #tpu.memory_space<vmem>>[vector<16xi32>], vector<16xi32>, vector<16xi1>
    %add3A_379 = arith.constant 5408 : i32
    %add3A_380 = vector.broadcast %add3A_379 : i32 to vector<16xi32>
    %add3A_381 = arith.addi %add3A_304, %add3A_380 : vector<16xi32>
    %sub3A_382 = vector.broadcast %mul3A_2 : i32 to vector<16xi32>
    %sub3A_383 = arith.subi %add3A_381, %sub3A_382 : vector<16xi32>
    %gt3A_384 = arith.constant 5.000000e-01 : f32
    %gt3A_385 = vector.broadcast %gt3A_384 : f32 to vector<16xf32>
    %gt3A_386 = arith.cmpf ogt, %div3A_280, %gt3A_385 : vector<16xf32>
    %eq3A_387 = arith.constant 2 : i32
    %eq3A_388 = vector.broadcast %eq3A_387 : i32 to vector<16xi32>
    %eq3A_389 = arith.cmpi eq, %select_n3A_292, %eq3A_388 : vector<16xi32>
    %or3A_390 = arith.ori %gt3A_386, %eq3A_389 : vector<16xi1>
    %and3A_391 = arith.andi %gt3A_229, %or3A_390 : vector<16xi1>
    %ge3A_392 = arith.constant 0 : i32
    %ge3A_393 = vector.broadcast %ge3A_392 : i32 to vector<16xi32>
    %ge3A_394 = arith.cmpi sge, %sub3A_383, %ge3A_393 : vector<16xi32>
    %and3A_395 = arith.andi %and3A_391, %ge3A_394 : vector<16xi1>
    %lt3A_396 = arith.constant 4056 : i32
    %lt3A_397 = vector.broadcast %lt3A_396 : i32 to vector<16xi32>
    %lt3A_398 = arith.cmpi slt, %sub3A_383, %lt3A_397 : vector<16xi32>
    %and3A_399 = arith.andi %and3A_395, %lt3A_398 : vector<16xi1>
    %jit3A_400 = arith.constant 0 : i32
    %jit3A_401 = arith.constant 4063 : i32
    %max3A_402 = vector.broadcast %jit3A_400 : i32 to vector<16xi32>
    %max3A_403 = arith.maxsi %max3A_402, %sub3A_383 : vector<16xi32>
    %min3A_404 = vector.broadcast %jit3A_401 : i32 to vector<16xi32>
    %min3A_405 = arith.minsi %min3A_404, %max3A_403 : vector<16xi32>
    tpu.vector_store_idx %arg9[%min3A_405], %broadcast_in_dim3A_3 masked %and3A_399 : memref<4064xi32, #tpu.memory_space<vmem>>[vector<16xi32>], vector<16xi32>, vector<16xi1>
    %add3A_406 = arith.constant 32 : i32
    %add3A_407 = vector.broadcast %add3A_406 : i32 to vector<16xi32>
    %add3A_408 = arith.addi %add3A_407, %iota3A : vector<16xi32>
    %mul3A_409 = arith.constant 6 : i32
    %mul3A_410 = vector.broadcast %mul3A_409 : i32 to vector<16xi32>
    %mul3A_411 = arith.muli %add3A_408, %mul3A_410 : vector<16xi32>
    %add3A_412 = arith.constant 1 : i32
    %add3A_413 = vector.broadcast %add3A_412 : i32 to vector<16xi32>
    %add3A_414 = arith.addi %mul3A_411, %add3A_413 : vector<16xi32>
    %gather3A_415 = tpu.vector_load_idx %arg7[%add3A_414] : memref<768xf32, #tpu.memory_space<vmem>>[vector<16xi32>], vector<16xf32>,
    %add3A_416 = arith.constant 2 : i32
    %add3A_417 = vector.broadcast %add3A_416 : i32 to vector<16xi32>
    %add3A_418 = arith.addi %mul3A_411, %add3A_417 : vector<16xi32>
    %gather3A_419 = tpu.vector_load_idx %arg7[%add3A_418] : memref<768xf32, #tpu.memory_space<vmem>>[vector<16xi32>], vector<16xf32>,
    %add3A_420 = arith.constant 3 : i32
    %add3A_421 = vector.broadcast %add3A_420 : i32 to vector<16xi32>
    %add3A_422 = arith.addi %mul3A_411, %add3A_421 : vector<16xi32>
    %gather3A_423 = tpu.vector_load_idx %arg7[%add3A_422] : memref<768xf32, #tpu.memory_space<vmem>>[vector<16xi32>], vector<16xf32>,
    %add3A_424 = arith.constant 4 : i32
    %add3A_425 = vector.broadcast %add3A_424 : i32 to vector<16xi32>
    %add3A_426 = arith.addi %mul3A_411, %add3A_425 : vector<16xi32>
    %gather3A_427 = tpu.vector_load_idx %arg7[%add3A_426] : memref<768xf32, #tpu.memory_space<vmem>>[vector<16xi32>], vector<16xf32>,
    %add3A_428 = arith.constant 5 : i32
    %add3A_429 = vector.broadcast %add3A_428 : i32 to vector<16xi32>
    %add3A_430 = arith.addi %mul3A_411, %add3A_429 : vector<16xi32>
    %gather3A_431 = tpu.vector_load_idx %arg7[%add3A_430] : memref<768xf32, #tpu.memory_space<vmem>>[vector<16xi32>], vector<16xf32>,
    %gt3A_432 = arith.constant -1.000000e+00 : f32
    %gt3A_433 = vector.broadcast %gt3A_432 : f32 to vector<16xf32>
    %gt3A_434 = arith.cmpf ogt, %gather3A_415, %gt3A_433 : vector<16xf32>
    %mul3A_435 = arith.constant 5.200000e+01 : f32
    %mul3A_436 = vector.broadcast %mul3A_435 : f32 to vector<16xf32>
    %mul3A_437 = arith.mulf %gather3A_419, %mul3A_436 : vector<16xf32>
    %convert_element_type3A_438 = arith.fptosi %mul3A_437 : vector<16xf32> to vector<16xi32>
    %mul3A_439 = arith.constant 5.200000e+01 : f32
    %mul3A_440 = vector.broadcast %mul3A_439 : f32 to vector<16xf32>
    %mul3A_441 = arith.mulf %gather3A_423, %mul3A_440 : vector<16xf32>
    %convert_element_type3A_442 = arith.fptosi %mul3A_441 : vector<16xf32> to vector<16xi32>
    %mul3A_443 = arith.constant 5.200000e+01 : f32
    %mul3A_444 = vector.broadcast %mul3A_443 : f32 to vector<16xf32>
    %mul3A_445 = arith.mulf %gather3A_427, %mul3A_444 : vector<16xf32>
    %mul3A_446 = arith.constant 5.200000e+01 : f32
    %mul3A_447 = vector.broadcast %mul3A_446 : f32 to vector<16xf32>
    %mul3A_448 = arith.mulf %gather3A_431, %mul3A_447 : vector<16xf32>
    %mul3A_449 = arith.mulf %mul3A_445, %mul3A_448 : vector<16xf32>
    %min3A_450 = arith.constant 1.040000e+00 : f32
    %min3A_451 = vector.broadcast %min3A_450 : f32 to vector<16xf32>
    %min3A_452 = arith.minimumf %min3A_451, %mul3A_445 : vector<16xf32>
    %min3A_453 = arith.constant 1.560000e+00 : f32
    %min3A_454 = vector.broadcast %min3A_453 : f32 to vector<16xf32>
    %min3A_455 = arith.minimumf %min3A_454, %mul3A_448 : vector<16xf32>
    %mul3A_456 = arith.mulf %min3A_452, %min3A_455 : vector<16xf32>
    %add3A_457 = arith.constant 1.622400e+00 : f32
    %add3A_458 = vector.broadcast %add3A_457 : f32 to vector<16xf32>
    %add3A_459 = arith.addf %add3A_458, %mul3A_449 : vector<16xf32>
    %sub3A_460 = arith.subf %add3A_459, %mul3A_456 : vector<16xf32>
    %div3A_461 = arith.divf %mul3A_456, %sub3A_460 : vector<16xf32>
    %min3A_462 = arith.constant 2.600000e+00 : f32
    %min3A_463 = vector.broadcast %min3A_462 : f32 to vector<16xf32>
    %min3A_464 = arith.minimumf %min3A_463, %mul3A_445 : vector<16xf32>
    %min3A_465 = arith.constant 3.120000e+00 : f32
    %min3A_466 = vector.broadcast %min3A_465 : f32 to vector<16xf32>
    %min3A_467 = arith.minimumf %min3A_466, %mul3A_448 : vector<16xf32>
    %mul3A_468 = arith.mulf %min3A_464, %min3A_467 : vector<16xf32>
    %add3A_469 = arith.constant 8.112000e+00 : f32
    %add3A_470 = vector.broadcast %add3A_469 : f32 to vector<16xf32>
    %add3A_471 = arith.addf %add3A_470, %mul3A_449 : vector<16xf32>
    %sub3A_472 = arith.subf %add3A_471, %mul3A_468 : vector<16xf32>
    %div3A_473 = arith.divf %mul3A_468, %sub3A_472 : vector<16xf32>
    %min3A_474 = arith.constant 6.240000e+00 : f32
    %min3A_475 = vector.broadcast %min3A_474 : f32 to vector<16xf32>
    %min3A_476 = arith.minimumf %min3A_475, %mul3A_445 : vector<16xf32>
    %min3A_477 = arith.constant 5.200000e+00 : f32
    %min3A_478 = vector.broadcast %min3A_477 : f32 to vector<16xf32>
    %min3A_479 = arith.minimumf %min3A_478, %mul3A_448 : vector<16xf32>
    %mul3A_480 = arith.mulf %min3A_476, %min3A_479 : vector<16xf32>
    %add3A_481 = arith.constant 3.244800e+01 : f32
    %add3A_482 = vector.broadcast %add3A_481 : f32 to vector<16xf32>
    %add3A_483 = arith.addf %add3A_482, %mul3A_449 : vector<16xf32>
    %sub3A_484 = arith.subf %add3A_483, %mul3A_480 : vector<16xf32>
    %div3A_485 = arith.divf %mul3A_480, %sub3A_484 : vector<16xf32>
    %max3A_486 = arith.maximumf %div3A_461, %div3A_473 : vector<16xf32>
    %max3A_487 = arith.maximumf %max3A_486, %div3A_485 : vector<16xf32>
    %eq3A_488 = arith.cmpf oeq, %div3A_461, %max3A_487 : vector<16xf32>
    %eq3A_489 = arith.cmpf oeq, %div3A_473, %max3A_487 : vector<16xf32>
    %jit3A_490 = arith.constant 1 : i32
    %jit3A_491 = arith.constant 2 : i32
    %broadcast_in_dim3A_492 = vector.broadcast %jit3A_490 : i32 to vector<16xi32>
    %broadcast_in_dim3A_493 = vector.broadcast %jit3A_491 : i32 to vector<16xi32>
    %select_n3A_494 = arith.select %eq3A_489, %broadcast_in_dim3A_492, %broadcast_in_dim3A_493 : vector<16xi1>, vector<16xi32>
    %jit3A_495 = arith.constant 0 : i32
    %broadcast_in_dim3A_496 = vector.broadcast %jit3A_495 : i32 to vector<16xi32>
    %select_n3A_497 = arith.select %eq3A_488, %broadcast_in_dim3A_496, %select_n3A_494 : vector<16xi1>, vector<16xi32>
    %swap3A_498 = arith.constant 32 : index
    %swap3A_499 = tpu.vector_load %arg10[%swap3A_498] {strides = array<i32>} : memref<128xf32, #tpu.memory_space<vmem>>, vector<16xf32>,
    tpu.vector_store %arg10[%swap3A_498], %max3A_487 {strides = array<i32>} : memref<128xf32, #tpu.memory_space<vmem>>, vector<16xf32>,
    %swap3A_500 = arith.constant 32 : index
    %swap3A_501 = tpu.vector_load %arg11[%swap3A_500] {strides = array<i32>} : memref<128xi32, #tpu.memory_space<vmem>>, vector<16xi32>,
    tpu.vector_store %arg11[%swap3A_500], %select_n3A_497 {strides = array<i32>} : memref<128xi32, #tpu.memory_space<vmem>>, vector<16xi32>,
    %mul3A_502 = arith.constant 8112 : i32
    %mul3A_503 = vector.broadcast %mul3A_502 : i32 to vector<16xi32>
    %mul3A_504 = arith.muli %iota3A, %mul3A_503 : vector<16xi32>
    %mul3A_505 = arith.constant 52 : i32
    %mul3A_506 = vector.broadcast %mul3A_505 : i32 to vector<16xi32>
    %mul3A_507 = arith.muli %convert_element_type3A_438, %mul3A_506 : vector<16xi32>
    %add3A_508 = arith.addi %mul3A_504, %mul3A_507 : vector<16xi32>
    %add3A_509 = arith.addi %add3A_508, %convert_element_type3A_442 : vector<16xi32>
    %mul3A_510 = arith.constant 2704 : i32
    %mul3A_511 = vector.broadcast %mul3A_510 : i32 to vector<16xi32>
    %mul3A_512 = arith.muli %select_n3A_497, %mul3A_511 : vector<16xi32>
    %add3A_513 = arith.addi %add3A_509, %mul3A_512 : vector<16xi32>
    %sub3A_514 = vector.broadcast %mul3A_2 : i32 to vector<16xi32>
    %sub3A_515 = arith.subi %add3A_513, %sub3A_514 : vector<16xi32>
    %ge3A_516 = arith.constant 0 : i32
    %ge3A_517 = vector.broadcast %ge3A_516 : i32 to vector<16xi32>
    %ge3A_518 = arith.cmpi sge, %sub3A_515, %ge3A_517 : vector<16xi32>
    %and3A_519 = arith.andi %gt3A_434, %ge3A_518 : vector<16xi1>
    %lt3A_520 = arith.constant 4056 : i32
    %lt3A_521 = vector.broadcast %lt3A_520 : i32 to vector<16xi32>
    %lt3A_522 = arith.cmpi slt, %sub3A_515, %lt3A_521 : vector<16xi32>
    %and3A_523 = arith.andi %and3A_519, %lt3A_522 : vector<16xi1>
    %jit3A_524 = arith.constant 0 : i32
    %jit3A_525 = arith.constant 4063 : i32
    %max3A_526 = vector.broadcast %jit3A_524 : i32 to vector<16xi32>
    %max3A_527 = arith.maxsi %max3A_526, %sub3A_515 : vector<16xi32>
    %min3A_528 = vector.broadcast %jit3A_525 : i32 to vector<16xi32>
    %min3A_529 = arith.minsi %min3A_528, %max3A_527 : vector<16xi32>
    tpu.vector_store_idx %arg8[%min3A_529], %broadcast_in_dim3A_5 masked %and3A_523 : memref<4064xi32, #tpu.memory_space<vmem>>[vector<16xi32>], vector<16xi32>, vector<16xi1>
    %add3A_530 = arith.constant 0 : i32
    %add3A_531 = vector.broadcast %add3A_530 : i32 to vector<16xi32>
    %add3A_532 = arith.addi %add3A_509, %add3A_531 : vector<16xi32>
    %sub3A_533 = vector.broadcast %mul3A_2 : i32 to vector<16xi32>
    %sub3A_534 = arith.subi %add3A_532, %sub3A_533 : vector<16xi32>
    %gt3A_535 = arith.constant 5.000000e-01 : f32
    %gt3A_536 = vector.broadcast %gt3A_535 : f32 to vector<16xf32>
    %gt3A_537 = arith.cmpf ogt, %div3A_461, %gt3A_536 : vector<16xf32>
    %eq3A_538 = arith.constant 0 : i32
    %eq3A_539 = vector.broadcast %eq3A_538 : i32 to vector<16xi32>
    %eq3A_540 = arith.cmpi eq, %select_n3A_497, %eq3A_539 : vector<16xi32>
    %or3A_541 = arith.ori %gt3A_537, %eq3A_540 : vector<16xi1>
    %and3A_542 = arith.andi %gt3A_434, %or3A_541 : vector<16xi1>
    %ge3A_543 = arith.constant 0 : i32
    %ge3A_544 = vector.broadcast %ge3A_543 : i32 to vector<16xi32>
    %ge3A_545 = arith.cmpi sge, %sub3A_534, %ge3A_544 : vector<16xi32>
    %and3A_546 = arith.andi %and3A_542, %ge3A_545 : vector<16xi1>
    %lt3A_547 = arith.constant 4056 : i32
    %lt3A_548 = vector.broadcast %lt3A_547 : i32 to vector<16xi32>
    %lt3A_549 = arith.cmpi slt, %sub3A_534, %lt3A_548 : vector<16xi32>
    %and3A_550 = arith.andi %and3A_546, %lt3A_549 : vector<16xi1>
    %jit3A_551 = arith.constant 0 : i32
    %jit3A_552 = arith.constant 4063 : i32
    %max3A_553 = vector.broadcast %jit3A_551 : i32 to vector<16xi32>
    %max3A_554 = arith.maxsi %max3A_553, %sub3A_534 : vector<16xi32>
    %min3A_555 = vector.broadcast %jit3A_552 : i32 to vector<16xi32>
    %min3A_556 = arith.minsi %min3A_555, %max3A_554 : vector<16xi32>
    tpu.vector_store_idx %arg9[%min3A_556], %broadcast_in_dim3A_3 masked %and3A_550 : memref<4064xi32, #tpu.memory_space<vmem>>[vector<16xi32>], vector<16xi32>, vector<16xi1>
    %add3A_557 = arith.constant 2704 : i32
    %add3A_558 = vector.broadcast %add3A_557 : i32 to vector<16xi32>
    %add3A_559 = arith.addi %add3A_509, %add3A_558 : vector<16xi32>
    %sub3A_560 = vector.broadcast %mul3A_2 : i32 to vector<16xi32>
    %sub3A_561 = arith.subi %add3A_559, %sub3A_560 : vector<16xi32>
    %gt3A_562 = arith.constant 5.000000e-01 : f32
    %gt3A_563 = vector.broadcast %gt3A_562 : f32 to vector<16xf32>
    %gt3A_564 = arith.cmpf ogt, %div3A_473, %gt3A_563 : vector<16xf32>
    %eq3A_565 = arith.constant 1 : i32
    %eq3A_566 = vector.broadcast %eq3A_565 : i32 to vector<16xi32>
    %eq3A_567 = arith.cmpi eq, %select_n3A_497, %eq3A_566 : vector<16xi32>
    %or3A_568 = arith.ori %gt3A_564, %eq3A_567 : vector<16xi1>
    %and3A_569 = arith.andi %gt3A_434, %or3A_568 : vector<16xi1>
    %ge3A_570 = arith.constant 0 : i32
    %ge3A_571 = vector.broadcast %ge3A_570 : i32 to vector<16xi32>
    %ge3A_572 = arith.cmpi sge, %sub3A_561, %ge3A_571 : vector<16xi32>
    %and3A_573 = arith.andi %and3A_569, %ge3A_572 : vector<16xi1>
    %lt3A_574 = arith.constant 4056 : i32
    %lt3A_575 = vector.broadcast %lt3A_574 : i32 to vector<16xi32>
    %lt3A_576 = arith.cmpi slt, %sub3A_561, %lt3A_575 : vector<16xi32>
    %and3A_577 = arith.andi %and3A_573, %lt3A_576 : vector<16xi1>
    %jit3A_578 = arith.constant 0 : i32
    %jit3A_579 = arith.constant 4063 : i32
    %max3A_580 = vector.broadcast %jit3A_578 : i32 to vector<16xi32>
    %max3A_581 = arith.maxsi %max3A_580, %sub3A_561 : vector<16xi32>
    %min3A_582 = vector.broadcast %jit3A_579 : i32 to vector<16xi32>
    %min3A_583 = arith.minsi %min3A_582, %max3A_581 : vector<16xi32>
    tpu.vector_store_idx %arg9[%min3A_583], %broadcast_in_dim3A_3 masked %and3A_577 : memref<4064xi32, #tpu.memory_space<vmem>>[vector<16xi32>], vector<16xi32>, vector<16xi1>
    %add3A_584 = arith.constant 5408 : i32
    %add3A_585 = vector.broadcast %add3A_584 : i32 to vector<16xi32>
    %add3A_586 = arith.addi %add3A_509, %add3A_585 : vector<16xi32>
    %sub3A_587 = vector.broadcast %mul3A_2 : i32 to vector<16xi32>
    %sub3A_588 = arith.subi %add3A_586, %sub3A_587 : vector<16xi32>
    %gt3A_589 = arith.constant 5.000000e-01 : f32
    %gt3A_590 = vector.broadcast %gt3A_589 : f32 to vector<16xf32>
    %gt3A_591 = arith.cmpf ogt, %div3A_485, %gt3A_590 : vector<16xf32>
    %eq3A_592 = arith.constant 2 : i32
    %eq3A_593 = vector.broadcast %eq3A_592 : i32 to vector<16xi32>
    %eq3A_594 = arith.cmpi eq, %select_n3A_497, %eq3A_593 : vector<16xi32>
    %or3A_595 = arith.ori %gt3A_591, %eq3A_594 : vector<16xi1>
    %and3A_596 = arith.andi %gt3A_434, %or3A_595 : vector<16xi1>
    %ge3A_597 = arith.constant 0 : i32
    %ge3A_598 = vector.broadcast %ge3A_597 : i32 to vector<16xi32>
    %ge3A_599 = arith.cmpi sge, %sub3A_588, %ge3A_598 : vector<16xi32>
    %and3A_600 = arith.andi %and3A_596, %ge3A_599 : vector<16xi1>
    %lt3A_601 = arith.constant 4056 : i32
    %lt3A_602 = vector.broadcast %lt3A_601 : i32 to vector<16xi32>
    %lt3A_603 = arith.cmpi slt, %sub3A_588, %lt3A_602 : vector<16xi32>
    %and3A_604 = arith.andi %and3A_600, %lt3A_603 : vector<16xi1>
    %jit3A_605 = arith.constant 0 : i32
    %jit3A_606 = arith.constant 4063 : i32
    %max3A_607 = vector.broadcast %jit3A_605 : i32 to vector<16xi32>
    %max3A_608 = arith.maxsi %max3A_607, %sub3A_588 : vector<16xi32>
    %min3A_609 = vector.broadcast %jit3A_606 : i32 to vector<16xi32>
    %min3A_610 = arith.minsi %min3A_609, %max3A_608 : vector<16xi32>
    tpu.vector_store_idx %arg9[%min3A_610], %broadcast_in_dim3A_3 masked %and3A_604 : memref<4064xi32, #tpu.memory_space<vmem>>[vector<16xi32>], vector<16xi32>, vector<16xi1>
    %add3A_611 = arith.constant 48 : i32
    %add3A_612 = vector.broadcast %add3A_611 : i32 to vector<16xi32>
    %add3A_613 = arith.addi %add3A_612, %iota3A : vector<16xi32>
    %mul3A_614 = arith.constant 6 : i32
    %mul3A_615 = vector.broadcast %mul3A_614 : i32 to vector<16xi32>
    %mul3A_616 = arith.muli %add3A_613, %mul3A_615 : vector<16xi32>
    %add3A_617 = arith.constant 1 : i32
    %add3A_618 = vector.broadcast %add3A_617 : i32 to vector<16xi32>
    %add3A_619 = arith.addi %mul3A_616, %add3A_618 : vector<16xi32>
    %gather3A_620 = tpu.vector_load_idx %arg7[%add3A_619] : memref<768xf32, #tpu.memory_space<vmem>>[vector<16xi32>], vector<16xf32>,
    %add3A_621 = arith.constant 2 : i32
    %add3A_622 = vector.broadcast %add3A_621 : i32 to vector<16xi32>
    %add3A_623 = arith.addi %mul3A_616, %add3A_622 : vector<16xi32>
    %gather3A_624 = tpu.vector_load_idx %arg7[%add3A_623] : memref<768xf32, #tpu.memory_space<vmem>>[vector<16xi32>], vector<16xf32>,
    %add3A_625 = arith.constant 3 : i32
    %add3A_626 = vector.broadcast %add3A_625 : i32 to vector<16xi32>
    %add3A_627 = arith.addi %mul3A_616, %add3A_626 : vector<16xi32>
    %gather3A_628 = tpu.vector_load_idx %arg7[%add3A_627] : memref<768xf32, #tpu.memory_space<vmem>>[vector<16xi32>], vector<16xf32>,
    %add3A_629 = arith.constant 4 : i32
    %add3A_630 = vector.broadcast %add3A_629 : i32 to vector<16xi32>
    %add3A_631 = arith.addi %mul3A_616, %add3A_630 : vector<16xi32>
    %gather3A_632 = tpu.vector_load_idx %arg7[%add3A_631] : memref<768xf32, #tpu.memory_space<vmem>>[vector<16xi32>], vector<16xf32>,
    %add3A_633 = arith.constant 5 : i32
    %add3A_634 = vector.broadcast %add3A_633 : i32 to vector<16xi32>
    %add3A_635 = arith.addi %mul3A_616, %add3A_634 : vector<16xi32>
    %gather3A_636 = tpu.vector_load_idx %arg7[%add3A_635] : memref<768xf32, #tpu.memory_space<vmem>>[vector<16xi32>], vector<16xf32>,
    %gt3A_637 = arith.constant -1.000000e+00 : f32
    %gt3A_638 = vector.broadcast %gt3A_637 : f32 to vector<16xf32>
    %gt3A_639 = arith.cmpf ogt, %gather3A_620, %gt3A_638 : vector<16xf32>
    %mul3A_640 = arith.constant 5.200000e+01 : f32
    %mul3A_641 = vector.broadcast %mul3A_640 : f32 to vector<16xf32>
    %mul3A_642 = arith.mulf %gather3A_624, %mul3A_641 : vector<16xf32>
    %convert_element_type3A_643 = arith.fptosi %mul3A_642 : vector<16xf32> to vector<16xi32>
    %mul3A_644 = arith.constant 5.200000e+01 : f32
    %mul3A_645 = vector.broadcast %mul3A_644 : f32 to vector<16xf32>
    %mul3A_646 = arith.mulf %gather3A_628, %mul3A_645 : vector<16xf32>
    %convert_element_type3A_647 = arith.fptosi %mul3A_646 : vector<16xf32> to vector<16xi32>
    %mul3A_648 = arith.constant 5.200000e+01 : f32
    %mul3A_649 = vector.broadcast %mul3A_648 : f32 to vector<16xf32>
    %mul3A_650 = arith.mulf %gather3A_632, %mul3A_649 : vector<16xf32>
    %mul3A_651 = arith.constant 5.200000e+01 : f32
    %mul3A_652 = vector.broadcast %mul3A_651 : f32 to vector<16xf32>
    %mul3A_653 = arith.mulf %gather3A_636, %mul3A_652 : vector<16xf32>
    %mul3A_654 = arith.mulf %mul3A_650, %mul3A_653 : vector<16xf32>
    %min3A_655 = arith.constant 1.040000e+00 : f32
    %min3A_656 = vector.broadcast %min3A_655 : f32 to vector<16xf32>
    %min3A_657 = arith.minimumf %min3A_656, %mul3A_650 : vector<16xf32>
    %min3A_658 = arith.constant 1.560000e+00 : f32
    %min3A_659 = vector.broadcast %min3A_658 : f32 to vector<16xf32>
    %min3A_660 = arith.minimumf %min3A_659, %mul3A_653 : vector<16xf32>
    %mul3A_661 = arith.mulf %min3A_657, %min3A_660 : vector<16xf32>
    %add3A_662 = arith.constant 1.622400e+00 : f32
    %add3A_663 = vector.broadcast %add3A_662 : f32 to vector<16xf32>
    %add3A_664 = arith.addf %add3A_663, %mul3A_654 : vector<16xf32>
    %sub3A_665 = arith.subf %add3A_664, %mul3A_661 : vector<16xf32>
    %div3A_666 = arith.divf %mul3A_661, %sub3A_665 : vector<16xf32>
    %min3A_667 = arith.constant 2.600000e+00 : f32
    %min3A_668 = vector.broadcast %min3A_667 : f32 to vector<16xf32>
    %min3A_669 = arith.minimumf %min3A_668, %mul3A_650 : vector<16xf32>
    %min3A_670 = arith.constant 3.120000e+00 : f32
    %min3A_671 = vector.broadcast %min3A_670 : f32 to vector<16xf32>
    %min3A_672 = arith.minimumf %min3A_671, %mul3A_653 : vector<16xf32>
    %mul3A_673 = arith.mulf %min3A_669, %min3A_672 : vector<16xf32>
    %add3A_674 = arith.constant 8.112000e+00 : f32
    %add3A_675 = vector.broadcast %add3A_674 : f32 to vector<16xf32>
    %add3A_676 = arith.addf %add3A_675, %mul3A_654 : vector<16xf32>
    %sub3A_677 = arith.subf %add3A_676, %mul3A_673 : vector<16xf32>
    %div3A_678 = arith.divf %mul3A_673, %sub3A_677 : vector<16xf32>
    %min3A_679 = arith.constant 6.240000e+00 : f32
    %min3A_680 = vector.broadcast %min3A_679 : f32 to vector<16xf32>
    %min3A_681 = arith.minimumf %min3A_680, %mul3A_650 : vector<16xf32>
    %min3A_682 = arith.constant 5.200000e+00 : f32
    %min3A_683 = vector.broadcast %min3A_682 : f32 to vector<16xf32>
    %min3A_684 = arith.minimumf %min3A_683, %mul3A_653 : vector<16xf32>
    %mul3A_685 = arith.mulf %min3A_681, %min3A_684 : vector<16xf32>
    %add3A_686 = arith.constant 3.244800e+01 : f32
    %add3A_687 = vector.broadcast %add3A_686 : f32 to vector<16xf32>
    %add3A_688 = arith.addf %add3A_687, %mul3A_654 : vector<16xf32>
    %sub3A_689 = arith.subf %add3A_688, %mul3A_685 : vector<16xf32>
    %div3A_690 = arith.divf %mul3A_685, %sub3A_689 : vector<16xf32>
    %max3A_691 = arith.maximumf %div3A_666, %div3A_678 : vector<16xf32>
    %max3A_692 = arith.maximumf %max3A_691, %div3A_690 : vector<16xf32>
    %eq3A_693 = arith.cmpf oeq, %div3A_666, %max3A_692 : vector<16xf32>
    %eq3A_694 = arith.cmpf oeq, %div3A_678, %max3A_692 : vector<16xf32>
    %jit3A_695 = arith.constant 1 : i32
    %jit3A_696 = arith.constant 2 : i32
    %broadcast_in_dim3A_697 = vector.broadcast %jit3A_695 : i32 to vector<16xi32>
    %broadcast_in_dim3A_698 = vector.broadcast %jit3A_696 : i32 to vector<16xi32>
    %select_n3A_699 = arith.select %eq3A_694, %broadcast_in_dim3A_697, %broadcast_in_dim3A_698 : vector<16xi1>, vector<16xi32>
    %jit3A_700 = arith.constant 0 : i32
    %broadcast_in_dim3A_701 = vector.broadcast %jit3A_700 : i32 to vector<16xi32>
    %select_n3A_702 = arith.select %eq3A_693, %broadcast_in_dim3A_701, %select_n3A_699 : vector<16xi1>, vector<16xi32>
    %swap3A_703 = arith.constant 48 : index
    %swap3A_704 = tpu.vector_load %arg10[%swap3A_703] {strides = array<i32>} : memref<128xf32, #tpu.memory_space<vmem>>, vector<16xf32>,
    tpu.vector_store %arg10[%swap3A_703], %max3A_692 {strides = array<i32>} : memref<128xf32, #tpu.memory_space<vmem>>, vector<16xf32>,
    %swap3A_705 = arith.constant 48 : index
    %swap3A_706 = tpu.vector_load %arg11[%swap3A_705] {strides = array<i32>} : memref<128xi32, #tpu.memory_space<vmem>>, vector<16xi32>,
    tpu.vector_store %arg11[%swap3A_705], %select_n3A_702 {strides = array<i32>} : memref<128xi32, #tpu.memory_space<vmem>>, vector<16xi32>,
    %mul3A_707 = arith.constant 8112 : i32
    %mul3A_708 = vector.broadcast %mul3A_707 : i32 to vector<16xi32>
    %mul3A_709 = arith.muli %iota3A, %mul3A_708 : vector<16xi32>
    %mul3A_710 = arith.constant 52 : i32
    %mul3A_711 = vector.broadcast %mul3A_710 : i32 to vector<16xi32>
    %mul3A_712 = arith.muli %convert_element_type3A_643, %mul3A_711 : vector<16xi32>
    %add3A_713 = arith.addi %mul3A_709, %mul3A_712 : vector<16xi32>
    %add3A_714 = arith.addi %add3A_713, %convert_element_type3A_647 : vector<16xi32>
    %mul3A_715 = arith.constant 2704 : i32
    %mul3A_716 = vector.broadcast %mul3A_715 : i32 to vector<16xi32>
    %mul3A_717 = arith.muli %select_n3A_702, %mul3A_716 : vector<16xi32>
    %add3A_718 = arith.addi %add3A_714, %mul3A_717 : vector<16xi32>
    %sub3A_719 = vector.broadcast %mul3A_2 : i32 to vector<16xi32>
    %sub3A_720 = arith.subi %add3A_718, %sub3A_719 : vector<16xi32>
    %ge3A_721 = arith.constant 0 : i32
    %ge3A_722 = vector.broadcast %ge3A_721 : i32 to vector<16xi32>
    %ge3A_723 = arith.cmpi sge, %sub3A_720, %ge3A_722 : vector<16xi32>
    %and3A_724 = arith.andi %gt3A_639, %ge3A_723 : vector<16xi1>
    %lt3A_725 = arith.constant 4056 : i32
    %lt3A_726 = vector.broadcast %lt3A_725 : i32 to vector<16xi32>
    %lt3A_727 = arith.cmpi slt, %sub3A_720, %lt3A_726 : vector<16xi32>
    %and3A_728 = arith.andi %and3A_724, %lt3A_727 : vector<16xi1>
    %jit3A_729 = arith.constant 0 : i32
    %jit3A_730 = arith.constant 4063 : i32
    %max3A_731 = vector.broadcast %jit3A_729 : i32 to vector<16xi32>
    %max3A_732 = arith.maxsi %max3A_731, %sub3A_720 : vector<16xi32>
    %min3A_733 = vector.broadcast %jit3A_730 : i32 to vector<16xi32>
    %min3A_734 = arith.minsi %min3A_733, %max3A_732 : vector<16xi32>
    tpu.vector_store_idx %arg8[%min3A_734], %broadcast_in_dim3A_5 masked %and3A_728 : memref<4064xi32, #tpu.memory_space<vmem>>[vector<16xi32>], vector<16xi32>, vector<16xi1>
    %add3A_735 = arith.constant 0 : i32
    %add3A_736 = vector.broadcast %add3A_735 : i32 to vector<16xi32>
    %add3A_737 = arith.addi %add3A_714, %add3A_736 : vector<16xi32>
    %sub3A_738 = vector.broadcast %mul3A_2 : i32 to vector<16xi32>
    %sub3A_739 = arith.subi %add3A_737, %sub3A_738 : vector<16xi32>
    %gt3A_740 = arith.constant 5.000000e-01 : f32
    %gt3A_741 = vector.broadcast %gt3A_740 : f32 to vector<16xf32>
    %gt3A_742 = arith.cmpf ogt, %div3A_666, %gt3A_741 : vector<16xf32>
    %eq3A_743 = arith.constant 0 : i32
    %eq3A_744 = vector.broadcast %eq3A_743 : i32 to vector<16xi32>
    %eq3A_745 = arith.cmpi eq, %select_n3A_702, %eq3A_744 : vector<16xi32>
    %or3A_746 = arith.ori %gt3A_742, %eq3A_745 : vector<16xi1>
    %and3A_747 = arith.andi %gt3A_639, %or3A_746 : vector<16xi1>
    %ge3A_748 = arith.constant 0 : i32
    %ge3A_749 = vector.broadcast %ge3A_748 : i32 to vector<16xi32>
    %ge3A_750 = arith.cmpi sge, %sub3A_739, %ge3A_749 : vector<16xi32>
    %and3A_751 = arith.andi %and3A_747, %ge3A_750 : vector<16xi1>
    %lt3A_752 = arith.constant 4056 : i32
    %lt3A_753 = vector.broadcast %lt3A_752 : i32 to vector<16xi32>
    %lt3A_754 = arith.cmpi slt, %sub3A_739, %lt3A_753 : vector<16xi32>
    %and3A_755 = arith.andi %and3A_751, %lt3A_754 : vector<16xi1>
    %jit3A_756 = arith.constant 0 : i32
    %jit3A_757 = arith.constant 4063 : i32
    %max3A_758 = vector.broadcast %jit3A_756 : i32 to vector<16xi32>
    %max3A_759 = arith.maxsi %max3A_758, %sub3A_739 : vector<16xi32>
    %min3A_760 = vector.broadcast %jit3A_757 : i32 to vector<16xi32>
    %min3A_761 = arith.minsi %min3A_760, %max3A_759 : vector<16xi32>
    tpu.vector_store_idx %arg9[%min3A_761], %broadcast_in_dim3A_3 masked %and3A_755 : memref<4064xi32, #tpu.memory_space<vmem>>[vector<16xi32>], vector<16xi32>, vector<16xi1>
    %add3A_762 = arith.constant 2704 : i32
    %add3A_763 = vector.broadcast %add3A_762 : i32 to vector<16xi32>
    %add3A_764 = arith.addi %add3A_714, %add3A_763 : vector<16xi32>
    %sub3A_765 = vector.broadcast %mul3A_2 : i32 to vector<16xi32>
    %sub3A_766 = arith.subi %add3A_764, %sub3A_765 : vector<16xi32>
    %gt3A_767 = arith.constant 5.000000e-01 : f32
    %gt3A_768 = vector.broadcast %gt3A_767 : f32 to vector<16xf32>
    %gt3A_769 = arith.cmpf ogt, %div3A_678, %gt3A_768 : vector<16xf32>
    %eq3A_770 = arith.constant 1 : i32
    %eq3A_771 = vector.broadcast %eq3A_770 : i32 to vector<16xi32>
    %eq3A_772 = arith.cmpi eq, %select_n3A_702, %eq3A_771 : vector<16xi32>
    %or3A_773 = arith.ori %gt3A_769, %eq3A_772 : vector<16xi1>
    %and3A_774 = arith.andi %gt3A_639, %or3A_773 : vector<16xi1>
    %ge3A_775 = arith.constant 0 : i32
    %ge3A_776 = vector.broadcast %ge3A_775 : i32 to vector<16xi32>
    %ge3A_777 = arith.cmpi sge, %sub3A_766, %ge3A_776 : vector<16xi32>
    %and3A_778 = arith.andi %and3A_774, %ge3A_777 : vector<16xi1>
    %lt3A_779 = arith.constant 4056 : i32
    %lt3A_780 = vector.broadcast %lt3A_779 : i32 to vector<16xi32>
    %lt3A_781 = arith.cmpi slt, %sub3A_766, %lt3A_780 : vector<16xi32>
    %and3A_782 = arith.andi %and3A_778, %lt3A_781 : vector<16xi1>
    %jit3A_783 = arith.constant 0 : i32
    %jit3A_784 = arith.constant 4063 : i32
    %max3A_785 = vector.broadcast %jit3A_783 : i32 to vector<16xi32>
    %max3A_786 = arith.maxsi %max3A_785, %sub3A_766 : vector<16xi32>
    %min3A_787 = vector.broadcast %jit3A_784 : i32 to vector<16xi32>
    %min3A_788 = arith.minsi %min3A_787, %max3A_786 : vector<16xi32>
    tpu.vector_store_idx %arg9[%min3A_788], %broadcast_in_dim3A_3 masked %and3A_782 : memref<4064xi32, #tpu.memory_space<vmem>>[vector<16xi32>], vector<16xi32>, vector<16xi1>
    %add3A_789 = arith.constant 5408 : i32
    %add3A_790 = vector.broadcast %add3A_789 : i32 to vector<16xi32>
    %add3A_791 = arith.addi %add3A_714, %add3A_790 : vector<16xi32>
    %sub3A_792 = vector.broadcast %mul3A_2 : i32 to vector<16xi32>
    %sub3A_793 = arith.subi %add3A_791, %sub3A_792 : vector<16xi32>
    %gt3A_794 = arith.constant 5.000000e-01 : f32
    %gt3A_795 = vector.broadcast %gt3A_794 : f32 to vector<16xf32>
    %gt3A_796 = arith.cmpf ogt, %div3A_690, %gt3A_795 : vector<16xf32>
    %eq3A_797 = arith.constant 2 : i32
    %eq3A_798 = vector.broadcast %eq3A_797 : i32 to vector<16xi32>
    %eq3A_799 = arith.cmpi eq, %select_n3A_702, %eq3A_798 : vector<16xi32>
    %or3A_800 = arith.ori %gt3A_796, %eq3A_799 : vector<16xi1>
    %and3A_801 = arith.andi %gt3A_639, %or3A_800 : vector<16xi1>
    %ge3A_802 = arith.constant 0 : i32
    %ge3A_803 = vector.broadcast %ge3A_802 : i32 to vector<16xi32>
    %ge3A_804 = arith.cmpi sge, %sub3A_793, %ge3A_803 : vector<16xi32>
    %and3A_805 = arith.andi %and3A_801, %ge3A_804 : vector<16xi1>
    %lt3A_806 = arith.constant 4056 : i32
    %lt3A_807 = vector.broadcast %lt3A_806 : i32 to vector<16xi32>
    %lt3A_808 = arith.cmpi slt, %sub3A_793, %lt3A_807 : vector<16xi32>
    %and3A_809 = arith.andi %and3A_805, %lt3A_808 : vector<16xi1>
    %jit3A_810 = arith.constant 0 : i32
    %jit3A_811 = arith.constant 4063 : i32
    %max3A_812 = vector.broadcast %jit3A_810 : i32 to vector<16xi32>
    %max3A_813 = arith.maxsi %max3A_812, %sub3A_793 : vector<16xi32>
    %min3A_814 = vector.broadcast %jit3A_811 : i32 to vector<16xi32>
    %min3A_815 = arith.minsi %min3A_814, %max3A_813 : vector<16xi32>
    tpu.vector_store_idx %arg9[%min3A_815], %broadcast_in_dim3A_3 masked %and3A_809 : memref<4064xi32, #tpu.memory_space<vmem>>[vector<16xi32>], vector<16xi32>, vector<16xi1>
    %add3A_816 = arith.constant 64 : i32
    %add3A_817 = vector.broadcast %add3A_816 : i32 to vector<16xi32>
    %add3A_818 = arith.addi %add3A_817, %iota3A : vector<16xi32>
    %mul3A_819 = arith.constant 6 : i32
    %mul3A_820 = vector.broadcast %mul3A_819 : i32 to vector<16xi32>
    %mul3A_821 = arith.muli %add3A_818, %mul3A_820 : vector<16xi32>
    %add3A_822 = arith.constant 1 : i32
    %add3A_823 = vector.broadcast %add3A_822 : i32 to vector<16xi32>
    %add3A_824 = arith.addi %mul3A_821, %add3A_823 : vector<16xi32>
    %gather3A_825 = tpu.vector_load_idx %arg7[%add3A_824] : memref<768xf32, #tpu.memory_space<vmem>>[vector<16xi32>], vector<16xf32>,
    %add3A_826 = arith.constant 2 : i32
    %add3A_827 = vector.broadcast %add3A_826 : i32 to vector<16xi32>
    %add3A_828 = arith.addi %mul3A_821, %add3A_827 : vector<16xi32>
    %gather3A_829 = tpu.vector_load_idx %arg7[%add3A_828] : memref<768xf32, #tpu.memory_space<vmem>>[vector<16xi32>], vector<16xf32>,
    %add3A_830 = arith.constant 3 : i32
    %add3A_831 = vector.broadcast %add3A_830 : i32 to vector<16xi32>
    %add3A_832 = arith.addi %mul3A_821, %add3A_831 : vector<16xi32>
    %gather3A_833 = tpu.vector_load_idx %arg7[%add3A_832] : memref<768xf32, #tpu.memory_space<vmem>>[vector<16xi32>], vector<16xf32>,
    %add3A_834 = arith.constant 4 : i32
    %add3A_835 = vector.broadcast %add3A_834 : i32 to vector<16xi32>
    %add3A_836 = arith.addi %mul3A_821, %add3A_835 : vector<16xi32>
    %gather3A_837 = tpu.vector_load_idx %arg7[%add3A_836] : memref<768xf32, #tpu.memory_space<vmem>>[vector<16xi32>], vector<16xf32>,
    %add3A_838 = arith.constant 5 : i32
    %add3A_839 = vector.broadcast %add3A_838 : i32 to vector<16xi32>
    %add3A_840 = arith.addi %mul3A_821, %add3A_839 : vector<16xi32>
    %gather3A_841 = tpu.vector_load_idx %arg7[%add3A_840] : memref<768xf32, #tpu.memory_space<vmem>>[vector<16xi32>], vector<16xf32>,
    %gt3A_842 = arith.constant -1.000000e+00 : f32
    %gt3A_843 = vector.broadcast %gt3A_842 : f32 to vector<16xf32>
    %gt3A_844 = arith.cmpf ogt, %gather3A_825, %gt3A_843 : vector<16xf32>
    %mul3A_845 = arith.constant 5.200000e+01 : f32
    %mul3A_846 = vector.broadcast %mul3A_845 : f32 to vector<16xf32>
    %mul3A_847 = arith.mulf %gather3A_829, %mul3A_846 : vector<16xf32>
    %convert_element_type3A_848 = arith.fptosi %mul3A_847 : vector<16xf32> to vector<16xi32>
    %mul3A_849 = arith.constant 5.200000e+01 : f32
    %mul3A_850 = vector.broadcast %mul3A_849 : f32 to vector<16xf32>
    %mul3A_851 = arith.mulf %gather3A_833, %mul3A_850 : vector<16xf32>
    %convert_element_type3A_852 = arith.fptosi %mul3A_851 : vector<16xf32> to vector<16xi32>
    %mul3A_853 = arith.constant 5.200000e+01 : f32
    %mul3A_854 = vector.broadcast %mul3A_853 : f32 to vector<16xf32>
    %mul3A_855 = arith.mulf %gather3A_837, %mul3A_854 : vector<16xf32>
    %mul3A_856 = arith.constant 5.200000e+01 : f32
    %mul3A_857 = vector.broadcast %mul3A_856 : f32 to vector<16xf32>
    %mul3A_858 = arith.mulf %gather3A_841, %mul3A_857 : vector<16xf32>
    %mul3A_859 = arith.mulf %mul3A_855, %mul3A_858 : vector<16xf32>
    %min3A_860 = arith.constant 1.040000e+00 : f32
    %min3A_861 = vector.broadcast %min3A_860 : f32 to vector<16xf32>
    %min3A_862 = arith.minimumf %min3A_861, %mul3A_855 : vector<16xf32>
    %min3A_863 = arith.constant 1.560000e+00 : f32
    %min3A_864 = vector.broadcast %min3A_863 : f32 to vector<16xf32>
    %min3A_865 = arith.minimumf %min3A_864, %mul3A_858 : vector<16xf32>
    %mul3A_866 = arith.mulf %min3A_862, %min3A_865 : vector<16xf32>
    %add3A_867 = arith.constant 1.622400e+00 : f32
    %add3A_868 = vector.broadcast %add3A_867 : f32 to vector<16xf32>
    %add3A_869 = arith.addf %add3A_868, %mul3A_859 : vector<16xf32>
    %sub3A_870 = arith.subf %add3A_869, %mul3A_866 : vector<16xf32>
    %div3A_871 = arith.divf %mul3A_866, %sub3A_870 : vector<16xf32>
    %min3A_872 = arith.constant 2.600000e+00 : f32
    %min3A_873 = vector.broadcast %min3A_872 : f32 to vector<16xf32>
    %min3A_874 = arith.minimumf %min3A_873, %mul3A_855 : vector<16xf32>
    %min3A_875 = arith.constant 3.120000e+00 : f32
    %min3A_876 = vector.broadcast %min3A_875 : f32 to vector<16xf32>
    %min3A_877 = arith.minimumf %min3A_876, %mul3A_858 : vector<16xf32>
    %mul3A_878 = arith.mulf %min3A_874, %min3A_877 : vector<16xf32>
    %add3A_879 = arith.constant 8.112000e+00 : f32
    %add3A_880 = vector.broadcast %add3A_879 : f32 to vector<16xf32>
    %add3A_881 = arith.addf %add3A_880, %mul3A_859 : vector<16xf32>
    %sub3A_882 = arith.subf %add3A_881, %mul3A_878 : vector<16xf32>
    %div3A_883 = arith.divf %mul3A_878, %sub3A_882 : vector<16xf32>
    %min3A_884 = arith.constant 6.240000e+00 : f32
    %min3A_885 = vector.broadcast %min3A_884 : f32 to vector<16xf32>
    %min3A_886 = arith.minimumf %min3A_885, %mul3A_855 : vector<16xf32>
    %min3A_887 = arith.constant 5.200000e+00 : f32
    %min3A_888 = vector.broadcast %min3A_887 : f32 to vector<16xf32>
    %min3A_889 = arith.minimumf %min3A_888, %mul3A_858 : vector<16xf32>
    %mul3A_890 = arith.mulf %min3A_886, %min3A_889 : vector<16xf32>
    %add3A_891 = arith.constant 3.244800e+01 : f32
    %add3A_892 = vector.broadcast %add3A_891 : f32 to vector<16xf32>
    %add3A_893 = arith.addf %add3A_892, %mul3A_859 : vector<16xf32>
    %sub3A_894 = arith.subf %add3A_893, %mul3A_890 : vector<16xf32>
    %div3A_895 = arith.divf %mul3A_890, %sub3A_894 : vector<16xf32>
    %max3A_896 = arith.maximumf %div3A_871, %div3A_883 : vector<16xf32>
    %max3A_897 = arith.maximumf %max3A_896, %div3A_895 : vector<16xf32>
    %eq3A_898 = arith.cmpf oeq, %div3A_871, %max3A_897 : vector<16xf32>
    %eq3A_899 = arith.cmpf oeq, %div3A_883, %max3A_897 : vector<16xf32>
    %jit3A_900 = arith.constant 1 : i32
    %jit3A_901 = arith.constant 2 : i32
    %broadcast_in_dim3A_902 = vector.broadcast %jit3A_900 : i32 to vector<16xi32>
    %broadcast_in_dim3A_903 = vector.broadcast %jit3A_901 : i32 to vector<16xi32>
    %select_n3A_904 = arith.select %eq3A_899, %broadcast_in_dim3A_902, %broadcast_in_dim3A_903 : vector<16xi1>, vector<16xi32>
    %jit3A_905 = arith.constant 0 : i32
    %broadcast_in_dim3A_906 = vector.broadcast %jit3A_905 : i32 to vector<16xi32>
    %select_n3A_907 = arith.select %eq3A_898, %broadcast_in_dim3A_906, %select_n3A_904 : vector<16xi1>, vector<16xi32>
    %swap3A_908 = arith.constant 64 : index
    %swap3A_909 = tpu.vector_load %arg10[%swap3A_908] {strides = array<i32>} : memref<128xf32, #tpu.memory_space<vmem>>, vector<16xf32>,
    tpu.vector_store %arg10[%swap3A_908], %max3A_897 {strides = array<i32>} : memref<128xf32, #tpu.memory_space<vmem>>, vector<16xf32>,
    %swap3A_910 = arith.constant 64 : index
    %swap3A_911 = tpu.vector_load %arg11[%swap3A_910] {strides = array<i32>} : memref<128xi32, #tpu.memory_space<vmem>>, vector<16xi32>,
    tpu.vector_store %arg11[%swap3A_910], %select_n3A_907 {strides = array<i32>} : memref<128xi32, #tpu.memory_space<vmem>>, vector<16xi32>,
    %mul3A_912 = arith.constant 8112 : i32
    %mul3A_913 = vector.broadcast %mul3A_912 : i32 to vector<16xi32>
    %mul3A_914 = arith.muli %iota3A, %mul3A_913 : vector<16xi32>
    %mul3A_915 = arith.constant 52 : i32
    %mul3A_916 = vector.broadcast %mul3A_915 : i32 to vector<16xi32>
    %mul3A_917 = arith.muli %convert_element_type3A_848, %mul3A_916 : vector<16xi32>
    %add3A_918 = arith.addi %mul3A_914, %mul3A_917 : vector<16xi32>
    %add3A_919 = arith.addi %add3A_918, %convert_element_type3A_852 : vector<16xi32>
    %mul3A_920 = arith.constant 2704 : i32
    %mul3A_921 = vector.broadcast %mul3A_920 : i32 to vector<16xi32>
    %mul3A_922 = arith.muli %select_n3A_907, %mul3A_921 : vector<16xi32>
    %add3A_923 = arith.addi %add3A_919, %mul3A_922 : vector<16xi32>
    %sub3A_924 = vector.broadcast %mul3A_2 : i32 to vector<16xi32>
    %sub3A_925 = arith.subi %add3A_923, %sub3A_924 : vector<16xi32>
    %ge3A_926 = arith.constant 0 : i32
    %ge3A_927 = vector.broadcast %ge3A_926 : i32 to vector<16xi32>
    %ge3A_928 = arith.cmpi sge, %sub3A_925, %ge3A_927 : vector<16xi32>
    %and3A_929 = arith.andi %gt3A_844, %ge3A_928 : vector<16xi1>
    %lt3A_930 = arith.constant 4056 : i32
    %lt3A_931 = vector.broadcast %lt3A_930 : i32 to vector<16xi32>
    %lt3A_932 = arith.cmpi slt, %sub3A_925, %lt3A_931 : vector<16xi32>
    %and3A_933 = arith.andi %and3A_929, %lt3A_932 : vector<16xi1>
    %jit3A_934 = arith.constant 0 : i32
    %jit3A_935 = arith.constant 4063 : i32
    %max3A_936 = vector.broadcast %jit3A_934 : i32 to vector<16xi32>
    %max3A_937 = arith.maxsi %max3A_936, %sub3A_925 : vector<16xi32>
    %min3A_938 = vector.broadcast %jit3A_935 : i32 to vector<16xi32>
    %min3A_939 = arith.minsi %min3A_938, %max3A_937 : vector<16xi32>
    tpu.vector_store_idx %arg8[%min3A_939], %broadcast_in_dim3A_5 masked %and3A_933 : memref<4064xi32, #tpu.memory_space<vmem>>[vector<16xi32>], vector<16xi32>, vector<16xi1>
    %add3A_940 = arith.constant 0 : i32
    %add3A_941 = vector.broadcast %add3A_940 : i32 to vector<16xi32>
    %add3A_942 = arith.addi %add3A_919, %add3A_941 : vector<16xi32>
    %sub3A_943 = vector.broadcast %mul3A_2 : i32 to vector<16xi32>
    %sub3A_944 = arith.subi %add3A_942, %sub3A_943 : vector<16xi32>
    %gt3A_945 = arith.constant 5.000000e-01 : f32
    %gt3A_946 = vector.broadcast %gt3A_945 : f32 to vector<16xf32>
    %gt3A_947 = arith.cmpf ogt, %div3A_871, %gt3A_946 : vector<16xf32>
    %eq3A_948 = arith.constant 0 : i32
    %eq3A_949 = vector.broadcast %eq3A_948 : i32 to vector<16xi32>
    %eq3A_950 = arith.cmpi eq, %select_n3A_907, %eq3A_949 : vector<16xi32>
    %or3A_951 = arith.ori %gt3A_947, %eq3A_950 : vector<16xi1>
    %and3A_952 = arith.andi %gt3A_844, %or3A_951 : vector<16xi1>
    %ge3A_953 = arith.constant 0 : i32
    %ge3A_954 = vector.broadcast %ge3A_953 : i32 to vector<16xi32>
    %ge3A_955 = arith.cmpi sge, %sub3A_944, %ge3A_954 : vector<16xi32>
    %and3A_956 = arith.andi %and3A_952, %ge3A_955 : vector<16xi1>
    %lt3A_957 = arith.constant 4056 : i32
    %lt3A_958 = vector.broadcast %lt3A_957 : i32 to vector<16xi32>
    %lt3A_959 = arith.cmpi slt, %sub3A_944, %lt3A_958 : vector<16xi32>
    %and3A_960 = arith.andi %and3A_956, %lt3A_959 : vector<16xi1>
    %jit3A_961 = arith.constant 0 : i32
    %jit3A_962 = arith.constant 4063 : i32
    %max3A_963 = vector.broadcast %jit3A_961 : i32 to vector<16xi32>
    %max3A_964 = arith.maxsi %max3A_963, %sub3A_944 : vector<16xi32>
    %min3A_965 = vector.broadcast %jit3A_962 : i32 to vector<16xi32>
    %min3A_966 = arith.minsi %min3A_965, %max3A_964 : vector<16xi32>
    tpu.vector_store_idx %arg9[%min3A_966], %broadcast_in_dim3A_3 masked %and3A_960 : memref<4064xi32, #tpu.memory_space<vmem>>[vector<16xi32>], vector<16xi32>, vector<16xi1>
    %add3A_967 = arith.constant 2704 : i32
    %add3A_968 = vector.broadcast %add3A_967 : i32 to vector<16xi32>
    %add3A_969 = arith.addi %add3A_919, %add3A_968 : vector<16xi32>
    %sub3A_970 = vector.broadcast %mul3A_2 : i32 to vector<16xi32>
    %sub3A_971 = arith.subi %add3A_969, %sub3A_970 : vector<16xi32>
    %gt3A_972 = arith.constant 5.000000e-01 : f32
    %gt3A_973 = vector.broadcast %gt3A_972 : f32 to vector<16xf32>
    %gt3A_974 = arith.cmpf ogt, %div3A_883, %gt3A_973 : vector<16xf32>
    %eq3A_975 = arith.constant 1 : i32
    %eq3A_976 = vector.broadcast %eq3A_975 : i32 to vector<16xi32>
    %eq3A_977 = arith.cmpi eq, %select_n3A_907, %eq3A_976 : vector<16xi32>
    %or3A_978 = arith.ori %gt3A_974, %eq3A_977 : vector<16xi1>
    %and3A_979 = arith.andi %gt3A_844, %or3A_978 : vector<16xi1>
    %ge3A_980 = arith.constant 0 : i32
    %ge3A_981 = vector.broadcast %ge3A_980 : i32 to vector<16xi32>
    %ge3A_982 = arith.cmpi sge, %sub3A_971, %ge3A_981 : vector<16xi32>
    %and3A_983 = arith.andi %and3A_979, %ge3A_982 : vector<16xi1>
    %lt3A_984 = arith.constant 4056 : i32
    %lt3A_985 = vector.broadcast %lt3A_984 : i32 to vector<16xi32>
    %lt3A_986 = arith.cmpi slt, %sub3A_971, %lt3A_985 : vector<16xi32>
    %and3A_987 = arith.andi %and3A_983, %lt3A_986 : vector<16xi1>
    %jit3A_988 = arith.constant 0 : i32
    %jit3A_989 = arith.constant 4063 : i32
    %max3A_990 = vector.broadcast %jit3A_988 : i32 to vector<16xi32>
    %max3A_991 = arith.maxsi %max3A_990, %sub3A_971 : vector<16xi32>
    %min3A_992 = vector.broadcast %jit3A_989 : i32 to vector<16xi32>
    %min3A_993 = arith.minsi %min3A_992, %max3A_991 : vector<16xi32>
    tpu.vector_store_idx %arg9[%min3A_993], %broadcast_in_dim3A_3 masked %and3A_987 : memref<4064xi32, #tpu.memory_space<vmem>>[vector<16xi32>], vector<16xi32>, vector<16xi1>
    %add3A_994 = arith.constant 5408 : i32
    %add3A_995 = vector.broadcast %add3A_994 : i32 to vector<16xi32>
    %add3A_996 = arith.addi %add3A_919, %add3A_995 : vector<16xi32>
    %sub3A_997 = vector.broadcast %mul3A_2 : i32 to vector<16xi32>
    %sub3A_998 = arith.subi %add3A_996, %sub3A_997 : vector<16xi32>
    %gt3A_999 = arith.constant 5.000000e-01 : f32
    %gt3A_1000 = vector.broadcast %gt3A_999 : f32 to vector<16xf32>
    %gt3A_1001 = arith.cmpf ogt, %div3A_895, %gt3A_1000 : vector<16xf32>
    %eq3A_1002 = arith.constant 2 : i32
    %eq3A_1003 = vector.broadcast %eq3A_1002 : i32 to vector<16xi32>
    %eq3A_1004 = arith.cmpi eq, %select_n3A_907, %eq3A_1003 : vector<16xi32>
    %or3A_1005 = arith.ori %gt3A_1001, %eq3A_1004 : vector<16xi1>
    %and3A_1006 = arith.andi %gt3A_844, %or3A_1005 : vector<16xi1>
    %ge3A_1007 = arith.constant 0 : i32
    %ge3A_1008 = vector.broadcast %ge3A_1007 : i32 to vector<16xi32>
    %ge3A_1009 = arith.cmpi sge, %sub3A_998, %ge3A_1008 : vector<16xi32>
    %and3A_1010 = arith.andi %and3A_1006, %ge3A_1009 : vector<16xi1>
    %lt3A_1011 = arith.constant 4056 : i32
    %lt3A_1012 = vector.broadcast %lt3A_1011 : i32 to vector<16xi32>
    %lt3A_1013 = arith.cmpi slt, %sub3A_998, %lt3A_1012 : vector<16xi32>
    %and3A_1014 = arith.andi %and3A_1010, %lt3A_1013 : vector<16xi1>
    %jit3A_1015 = arith.constant 0 : i32
    %jit3A_1016 = arith.constant 4063 : i32
    %max3A_1017 = vector.broadcast %jit3A_1015 : i32 to vector<16xi32>
    %max3A_1018 = arith.maxsi %max3A_1017, %sub3A_998 : vector<16xi32>
    %min3A_1019 = vector.broadcast %jit3A_1016 : i32 to vector<16xi32>
    %min3A_1020 = arith.minsi %min3A_1019, %max3A_1018 : vector<16xi32>
    tpu.vector_store_idx %arg9[%min3A_1020], %broadcast_in_dim3A_3 masked %and3A_1014 : memref<4064xi32, #tpu.memory_space<vmem>>[vector<16xi32>], vector<16xi32>, vector<16xi1>
    %add3A_1021 = arith.constant 80 : i32
    %add3A_1022 = vector.broadcast %add3A_1021 : i32 to vector<16xi32>
    %add3A_1023 = arith.addi %add3A_1022, %iota3A : vector<16xi32>
    %mul3A_1024 = arith.constant 6 : i32
    %mul3A_1025 = vector.broadcast %mul3A_1024 : i32 to vector<16xi32>
    %mul3A_1026 = arith.muli %add3A_1023, %mul3A_1025 : vector<16xi32>
    %add3A_1027 = arith.constant 1 : i32
    %add3A_1028 = vector.broadcast %add3A_1027 : i32 to vector<16xi32>
    %add3A_1029 = arith.addi %mul3A_1026, %add3A_1028 : vector<16xi32>
    %gather3A_1030 = tpu.vector_load_idx %arg7[%add3A_1029] : memref<768xf32, #tpu.memory_space<vmem>>[vector<16xi32>], vector<16xf32>,
    %add3A_1031 = arith.constant 2 : i32
    %add3A_1032 = vector.broadcast %add3A_1031 : i32 to vector<16xi32>
    %add3A_1033 = arith.addi %mul3A_1026, %add3A_1032 : vector<16xi32>
    %gather3A_1034 = tpu.vector_load_idx %arg7[%add3A_1033] : memref<768xf32, #tpu.memory_space<vmem>>[vector<16xi32>], vector<16xf32>,
    %add3A_1035 = arith.constant 3 : i32
    %add3A_1036 = vector.broadcast %add3A_1035 : i32 to vector<16xi32>
    %add3A_1037 = arith.addi %mul3A_1026, %add3A_1036 : vector<16xi32>
    %gather3A_1038 = tpu.vector_load_idx %arg7[%add3A_1037] : memref<768xf32, #tpu.memory_space<vmem>>[vector<16xi32>], vector<16xf32>,
    %add3A_1039 = arith.constant 4 : i32
    %add3A_1040 = vector.broadcast %add3A_1039 : i32 to vector<16xi32>
    %add3A_1041 = arith.addi %mul3A_1026, %add3A_1040 : vector<16xi32>
    %gather3A_1042 = tpu.vector_load_idx %arg7[%add3A_1041] : memref<768xf32, #tpu.memory_space<vmem>>[vector<16xi32>], vector<16xf32>,
    %add3A_1043 = arith.constant 5 : i32
    %add3A_1044 = vector.broadcast %add3A_1043 : i32 to vector<16xi32>
    %add3A_1045 = arith.addi %mul3A_1026, %add3A_1044 : vector<16xi32>
    %gather3A_1046 = tpu.vector_load_idx %arg7[%add3A_1045] : memref<768xf32, #tpu.memory_space<vmem>>[vector<16xi32>], vector<16xf32>,
    %gt3A_1047 = arith.constant -1.000000e+00 : f32
    %gt3A_1048 = vector.broadcast %gt3A_1047 : f32 to vector<16xf32>
    %gt3A_1049 = arith.cmpf ogt, %gather3A_1030, %gt3A_1048 : vector<16xf32>
    %mul3A_1050 = arith.constant 5.200000e+01 : f32
    %mul3A_1051 = vector.broadcast %mul3A_1050 : f32 to vector<16xf32>
    %mul3A_1052 = arith.mulf %gather3A_1034, %mul3A_1051 : vector<16xf32>
    %convert_element_type3A_1053 = arith.fptosi %mul3A_1052 : vector<16xf32> to vector<16xi32>
    %mul3A_1054 = arith.constant 5.200000e+01 : f32
    %mul3A_1055 = vector.broadcast %mul3A_1054 : f32 to vector<16xf32>
    %mul3A_1056 = arith.mulf %gather3A_1038, %mul3A_1055 : vector<16xf32>
    %convert_element_type3A_1057 = arith.fptosi %mul3A_1056 : vector<16xf32> to vector<16xi32>
    %mul3A_1058 = arith.constant 5.200000e+01 : f32
    %mul3A_1059 = vector.broadcast %mul3A_1058 : f32 to vector<16xf32>
    %mul3A_1060 = arith.mulf %gather3A_1042, %mul3A_1059 : vector<16xf32>
    %mul3A_1061 = arith.constant 5.200000e+01 : f32
    %mul3A_1062 = vector.broadcast %mul3A_1061 : f32 to vector<16xf32>
    %mul3A_1063 = arith.mulf %gather3A_1046, %mul3A_1062 : vector<16xf32>
    %mul3A_1064 = arith.mulf %mul3A_1060, %mul3A_1063 : vector<16xf32>
    %min3A_1065 = arith.constant 1.040000e+00 : f32
    %min3A_1066 = vector.broadcast %min3A_1065 : f32 to vector<16xf32>
    %min3A_1067 = arith.minimumf %min3A_1066, %mul3A_1060 : vector<16xf32>
    %min3A_1068 = arith.constant 1.560000e+00 : f32
    %min3A_1069 = vector.broadcast %min3A_1068 : f32 to vector<16xf32>
    %min3A_1070 = arith.minimumf %min3A_1069, %mul3A_1063 : vector<16xf32>
    %mul3A_1071 = arith.mulf %min3A_1067, %min3A_1070 : vector<16xf32>
    %add3A_1072 = arith.constant 1.622400e+00 : f32
    %add3A_1073 = vector.broadcast %add3A_1072 : f32 to vector<16xf32>
    %add3A_1074 = arith.addf %add3A_1073, %mul3A_1064 : vector<16xf32>
    %sub3A_1075 = arith.subf %add3A_1074, %mul3A_1071 : vector<16xf32>
    %div3A_1076 = arith.divf %mul3A_1071, %sub3A_1075 : vector<16xf32>
    %min3A_1077 = arith.constant 2.600000e+00 : f32
    %min3A_1078 = vector.broadcast %min3A_1077 : f32 to vector<16xf32>
    %min3A_1079 = arith.minimumf %min3A_1078, %mul3A_1060 : vector<16xf32>
    %min3A_1080 = arith.constant 3.120000e+00 : f32
    %min3A_1081 = vector.broadcast %min3A_1080 : f32 to vector<16xf32>
    %min3A_1082 = arith.minimumf %min3A_1081, %mul3A_1063 : vector<16xf32>
    %mul3A_1083 = arith.mulf %min3A_1079, %min3A_1082 : vector<16xf32>
    %add3A_1084 = arith.constant 8.112000e+00 : f32
    %add3A_1085 = vector.broadcast %add3A_1084 : f32 to vector<16xf32>
    %add3A_1086 = arith.addf %add3A_1085, %mul3A_1064 : vector<16xf32>
    %sub3A_1087 = arith.subf %add3A_1086, %mul3A_1083 : vector<16xf32>
    %div3A_1088 = arith.divf %mul3A_1083, %sub3A_1087 : vector<16xf32>
    %min3A_1089 = arith.constant 6.240000e+00 : f32
    %min3A_1090 = vector.broadcast %min3A_1089 : f32 to vector<16xf32>
    %min3A_1091 = arith.minimumf %min3A_1090, %mul3A_1060 : vector<16xf32>
    %min3A_1092 = arith.constant 5.200000e+00 : f32
    %min3A_1093 = vector.broadcast %min3A_1092 : f32 to vector<16xf32>
    %min3A_1094 = arith.minimumf %min3A_1093, %mul3A_1063 : vector<16xf32>
    %mul3A_1095 = arith.mulf %min3A_1091, %min3A_1094 : vector<16xf32>
    %add3A_1096 = arith.constant 3.244800e+01 : f32
    %add3A_1097 = vector.broadcast %add3A_1096 : f32 to vector<16xf32>
    %add3A_1098 = arith.addf %add3A_1097, %mul3A_1064 : vector<16xf32>
    %sub3A_1099 = arith.subf %add3A_1098, %mul3A_1095 : vector<16xf32>
    %div3A_1100 = arith.divf %mul3A_1095, %sub3A_1099 : vector<16xf32>
    %max3A_1101 = arith.maximumf %div3A_1076, %div3A_1088 : vector<16xf32>
    %max3A_1102 = arith.maximumf %max3A_1101, %div3A_1100 : vector<16xf32>
    %eq3A_1103 = arith.cmpf oeq, %div3A_1076, %max3A_1102 : vector<16xf32>
    %eq3A_1104 = arith.cmpf oeq, %div3A_1088, %max3A_1102 : vector<16xf32>
    %jit3A_1105 = arith.constant 1 : i32
    %jit3A_1106 = arith.constant 2 : i32
    %broadcast_in_dim3A_1107 = vector.broadcast %jit3A_1105 : i32 to vector<16xi32>
    %broadcast_in_dim3A_1108 = vector.broadcast %jit3A_1106 : i32 to vector<16xi32>
    %select_n3A_1109 = arith.select %eq3A_1104, %broadcast_in_dim3A_1107, %broadcast_in_dim3A_1108 : vector<16xi1>, vector<16xi32>
    %jit3A_1110 = arith.constant 0 : i32
    %broadcast_in_dim3A_1111 = vector.broadcast %jit3A_1110 : i32 to vector<16xi32>
    %select_n3A_1112 = arith.select %eq3A_1103, %broadcast_in_dim3A_1111, %select_n3A_1109 : vector<16xi1>, vector<16xi32>
    %swap3A_1113 = arith.constant 80 : index
    %swap3A_1114 = tpu.vector_load %arg10[%swap3A_1113] {strides = array<i32>} : memref<128xf32, #tpu.memory_space<vmem>>, vector<16xf32>,
    tpu.vector_store %arg10[%swap3A_1113], %max3A_1102 {strides = array<i32>} : memref<128xf32, #tpu.memory_space<vmem>>, vector<16xf32>,
    %swap3A_1115 = arith.constant 80 : index
    %swap3A_1116 = tpu.vector_load %arg11[%swap3A_1115] {strides = array<i32>} : memref<128xi32, #tpu.memory_space<vmem>>, vector<16xi32>,
    tpu.vector_store %arg11[%swap3A_1115], %select_n3A_1112 {strides = array<i32>} : memref<128xi32, #tpu.memory_space<vmem>>, vector<16xi32>,
    %mul3A_1117 = arith.constant 8112 : i32
    %mul3A_1118 = vector.broadcast %mul3A_1117 : i32 to vector<16xi32>
    %mul3A_1119 = arith.muli %iota3A, %mul3A_1118 : vector<16xi32>
    %mul3A_1120 = arith.constant 52 : i32
    %mul3A_1121 = vector.broadcast %mul3A_1120 : i32 to vector<16xi32>
    %mul3A_1122 = arith.muli %convert_element_type3A_1053, %mul3A_1121 : vector<16xi32>
    %add3A_1123 = arith.addi %mul3A_1119, %mul3A_1122 : vector<16xi32>
    %add3A_1124 = arith.addi %add3A_1123, %convert_element_type3A_1057 : vector<16xi32>
    %mul3A_1125 = arith.constant 2704 : i32
    %mul3A_1126 = vector.broadcast %mul3A_1125 : i32 to vector<16xi32>
    %mul3A_1127 = arith.muli %select_n3A_1112, %mul3A_1126 : vector<16xi32>
    %add3A_1128 = arith.addi %add3A_1124, %mul3A_1127 : vector<16xi32>
    %sub3A_1129 = vector.broadcast %mul3A_2 : i32 to vector<16xi32>
    %sub3A_1130 = arith.subi %add3A_1128, %sub3A_1129 : vector<16xi32>
    %ge3A_1131 = arith.constant 0 : i32
    %ge3A_1132 = vector.broadcast %ge3A_1131 : i32 to vector<16xi32>
    %ge3A_1133 = arith.cmpi sge, %sub3A_1130, %ge3A_1132 : vector<16xi32>
    %and3A_1134 = arith.andi %gt3A_1049, %ge3A_1133 : vector<16xi1>
    %lt3A_1135 = arith.constant 4056 : i32
    %lt3A_1136 = vector.broadcast %lt3A_1135 : i32 to vector<16xi32>
    %lt3A_1137 = arith.cmpi slt, %sub3A_1130, %lt3A_1136 : vector<16xi32>
    %and3A_1138 = arith.andi %and3A_1134, %lt3A_1137 : vector<16xi1>
    %jit3A_1139 = arith.constant 0 : i32
    %jit3A_1140 = arith.constant 4063 : i32
    %max3A_1141 = vector.broadcast %jit3A_1139 : i32 to vector<16xi32>
    %max3A_1142 = arith.maxsi %max3A_1141, %sub3A_1130 : vector<16xi32>
    %min3A_1143 = vector.broadcast %jit3A_1140 : i32 to vector<16xi32>
    %min3A_1144 = arith.minsi %min3A_1143, %max3A_1142 : vector<16xi32>
    tpu.vector_store_idx %arg8[%min3A_1144], %broadcast_in_dim3A_5 masked %and3A_1138 : memref<4064xi32, #tpu.memory_space<vmem>>[vector<16xi32>], vector<16xi32>, vector<16xi1>
    %add3A_1145 = arith.constant 0 : i32
    %add3A_1146 = vector.broadcast %add3A_1145 : i32 to vector<16xi32>
    %add3A_1147 = arith.addi %add3A_1124, %add3A_1146 : vector<16xi32>
    %sub3A_1148 = vector.broadcast %mul3A_2 : i32 to vector<16xi32>
    %sub3A_1149 = arith.subi %add3A_1147, %sub3A_1148 : vector<16xi32>
    %gt3A_1150 = arith.constant 5.000000e-01 : f32
    %gt3A_1151 = vector.broadcast %gt3A_1150 : f32 to vector<16xf32>
    %gt3A_1152 = arith.cmpf ogt, %div3A_1076, %gt3A_1151 : vector<16xf32>
    %eq3A_1153 = arith.constant 0 : i32
    %eq3A_1154 = vector.broadcast %eq3A_1153 : i32 to vector<16xi32>
    %eq3A_1155 = arith.cmpi eq, %select_n3A_1112, %eq3A_1154 : vector<16xi32>
    %or3A_1156 = arith.ori %gt3A_1152, %eq3A_1155 : vector<16xi1>
    %and3A_1157 = arith.andi %gt3A_1049, %or3A_1156 : vector<16xi1>
    %ge3A_1158 = arith.constant 0 : i32
    %ge3A_1159 = vector.broadcast %ge3A_1158 : i32 to vector<16xi32>
    %ge3A_1160 = arith.cmpi sge, %sub3A_1149, %ge3A_1159 : vector<16xi32>
    %and3A_1161 = arith.andi %and3A_1157, %ge3A_1160 : vector<16xi1>
    %lt3A_1162 = arith.constant 4056 : i32
    %lt3A_1163 = vector.broadcast %lt3A_1162 : i32 to vector<16xi32>
    %lt3A_1164 = arith.cmpi slt, %sub3A_1149, %lt3A_1163 : vector<16xi32>
    %and3A_1165 = arith.andi %and3A_1161, %lt3A_1164 : vector<16xi1>
    %jit3A_1166 = arith.constant 0 : i32
    %jit3A_1167 = arith.constant 4063 : i32
    %max3A_1168 = vector.broadcast %jit3A_1166 : i32 to vector<16xi32>
    %max3A_1169 = arith.maxsi %max3A_1168, %sub3A_1149 : vector<16xi32>
    %min3A_1170 = vector.broadcast %jit3A_1167 : i32 to vector<16xi32>
    %min3A_1171 = arith.minsi %min3A_1170, %max3A_1169 : vector<16xi32>
    tpu.vector_store_idx %arg9[%min3A_1171], %broadcast_in_dim3A_3 masked %and3A_1165 : memref<4064xi32, #tpu.memory_space<vmem>>[vector<16xi32>], vector<16xi32>, vector<16xi1>
    %add3A_1172 = arith.constant 2704 : i32
    %add3A_1173 = vector.broadcast %add3A_1172 : i32 to vector<16xi32>
    %add3A_1174 = arith.addi %add3A_1124, %add3A_1173 : vector<16xi32>
    %sub3A_1175 = vector.broadcast %mul3A_2 : i32 to vector<16xi32>
    %sub3A_1176 = arith.subi %add3A_1174, %sub3A_1175 : vector<16xi32>
    %gt3A_1177 = arith.constant 5.000000e-01 : f32
    %gt3A_1178 = vector.broadcast %gt3A_1177 : f32 to vector<16xf32>
    %gt3A_1179 = arith.cmpf ogt, %div3A_1088, %gt3A_1178 : vector<16xf32>
    %eq3A_1180 = arith.constant 1 : i32
    %eq3A_1181 = vector.broadcast %eq3A_1180 : i32 to vector<16xi32>
    %eq3A_1182 = arith.cmpi eq, %select_n3A_1112, %eq3A_1181 : vector<16xi32>
    %or3A_1183 = arith.ori %gt3A_1179, %eq3A_1182 : vector<16xi1>
    %and3A_1184 = arith.andi %gt3A_1049, %or3A_1183 : vector<16xi1>
    %ge3A_1185 = arith.constant 0 : i32
    %ge3A_1186 = vector.broadcast %ge3A_1185 : i32 to vector<16xi32>
    %ge3A_1187 = arith.cmpi sge, %sub3A_1176, %ge3A_1186 : vector<16xi32>
    %and3A_1188 = arith.andi %and3A_1184, %ge3A_1187 : vector<16xi1>
    %lt3A_1189 = arith.constant 4056 : i32
    %lt3A_1190 = vector.broadcast %lt3A_1189 : i32 to vector<16xi32>
    %lt3A_1191 = arith.cmpi slt, %sub3A_1176, %lt3A_1190 : vector<16xi32>
    %and3A_1192 = arith.andi %and3A_1188, %lt3A_1191 : vector<16xi1>
    %jit3A_1193 = arith.constant 0 : i32
    %jit3A_1194 = arith.constant 4063 : i32
    %max3A_1195 = vector.broadcast %jit3A_1193 : i32 to vector<16xi32>
    %max3A_1196 = arith.maxsi %max3A_1195, %sub3A_1176 : vector<16xi32>
    %min3A_1197 = vector.broadcast %jit3A_1194 : i32 to vector<16xi32>
    %min3A_1198 = arith.minsi %min3A_1197, %max3A_1196 : vector<16xi32>
    tpu.vector_store_idx %arg9[%min3A_1198], %broadcast_in_dim3A_3 masked %and3A_1192 : memref<4064xi32, #tpu.memory_space<vmem>>[vector<16xi32>], vector<16xi32>, vector<16xi1>
    %add3A_1199 = arith.constant 5408 : i32
    %add3A_1200 = vector.broadcast %add3A_1199 : i32 to vector<16xi32>
    %add3A_1201 = arith.addi %add3A_1124, %add3A_1200 : vector<16xi32>
    %sub3A_1202 = vector.broadcast %mul3A_2 : i32 to vector<16xi32>
    %sub3A_1203 = arith.subi %add3A_1201, %sub3A_1202 : vector<16xi32>
    %gt3A_1204 = arith.constant 5.000000e-01 : f32
    %gt3A_1205 = vector.broadcast %gt3A_1204 : f32 to vector<16xf32>
    %gt3A_1206 = arith.cmpf ogt, %div3A_1100, %gt3A_1205 : vector<16xf32>
    %eq3A_1207 = arith.constant 2 : i32
    %eq3A_1208 = vector.broadcast %eq3A_1207 : i32 to vector<16xi32>
    %eq3A_1209 = arith.cmpi eq, %select_n3A_1112, %eq3A_1208 : vector<16xi32>
    %or3A_1210 = arith.ori %gt3A_1206, %eq3A_1209 : vector<16xi1>
    %and3A_1211 = arith.andi %gt3A_1049, %or3A_1210 : vector<16xi1>
    %ge3A_1212 = arith.constant 0 : i32
    %ge3A_1213 = vector.broadcast %ge3A_1212 : i32 to vector<16xi32>
    %ge3A_1214 = arith.cmpi sge, %sub3A_1203, %ge3A_1213 : vector<16xi32>
    %and3A_1215 = arith.andi %and3A_1211, %ge3A_1214 : vector<16xi1>
    %lt3A_1216 = arith.constant 4056 : i32
    %lt3A_1217 = vector.broadcast %lt3A_1216 : i32 to vector<16xi32>
    %lt3A_1218 = arith.cmpi slt, %sub3A_1203, %lt3A_1217 : vector<16xi32>
    %and3A_1219 = arith.andi %and3A_1215, %lt3A_1218 : vector<16xi1>
    %jit3A_1220 = arith.constant 0 : i32
    %jit3A_1221 = arith.constant 4063 : i32
    %max3A_1222 = vector.broadcast %jit3A_1220 : i32 to vector<16xi32>
    %max3A_1223 = arith.maxsi %max3A_1222, %sub3A_1203 : vector<16xi32>
    %min3A_1224 = vector.broadcast %jit3A_1221 : i32 to vector<16xi32>
    %min3A_1225 = arith.minsi %min3A_1224, %max3A_1223 : vector<16xi32>
    tpu.vector_store_idx %arg9[%min3A_1225], %broadcast_in_dim3A_3 masked %and3A_1219 : memref<4064xi32, #tpu.memory_space<vmem>>[vector<16xi32>], vector<16xi32>, vector<16xi1>
    %add3A_1226 = arith.constant 96 : i32
    %add3A_1227 = vector.broadcast %add3A_1226 : i32 to vector<16xi32>
    %add3A_1228 = arith.addi %add3A_1227, %iota3A : vector<16xi32>
    %mul3A_1229 = arith.constant 6 : i32
    %mul3A_1230 = vector.broadcast %mul3A_1229 : i32 to vector<16xi32>
    %mul3A_1231 = arith.muli %add3A_1228, %mul3A_1230 : vector<16xi32>
    %add3A_1232 = arith.constant 1 : i32
    %add3A_1233 = vector.broadcast %add3A_1232 : i32 to vector<16xi32>
    %add3A_1234 = arith.addi %mul3A_1231, %add3A_1233 : vector<16xi32>
    %gather3A_1235 = tpu.vector_load_idx %arg7[%add3A_1234] : memref<768xf32, #tpu.memory_space<vmem>>[vector<16xi32>], vector<16xf32>,
    %add3A_1236 = arith.constant 2 : i32
    %add3A_1237 = vector.broadcast %add3A_1236 : i32 to vector<16xi32>
    %add3A_1238 = arith.addi %mul3A_1231, %add3A_1237 : vector<16xi32>
    %gather3A_1239 = tpu.vector_load_idx %arg7[%add3A_1238] : memref<768xf32, #tpu.memory_space<vmem>>[vector<16xi32>], vector<16xf32>,
    %add3A_1240 = arith.constant 3 : i32
    %add3A_1241 = vector.broadcast %add3A_1240 : i32 to vector<16xi32>
    %add3A_1242 = arith.addi %mul3A_1231, %add3A_1241 : vector<16xi32>
    %gather3A_1243 = tpu.vector_load_idx %arg7[%add3A_1242] : memref<768xf32, #tpu.memory_space<vmem>>[vector<16xi32>], vector<16xf32>,
    %add3A_1244 = arith.constant 4 : i32
    %add3A_1245 = vector.broadcast %add3A_1244 : i32 to vector<16xi32>
    %add3A_1246 = arith.addi %mul3A_1231, %add3A_1245 : vector<16xi32>
    %gather3A_1247 = tpu.vector_load_idx %arg7[%add3A_1246] : memref<768xf32, #tpu.memory_space<vmem>>[vector<16xi32>], vector<16xf32>,
    %add3A_1248 = arith.constant 5 : i32
    %add3A_1249 = vector.broadcast %add3A_1248 : i32 to vector<16xi32>
    %add3A_1250 = arith.addi %mul3A_1231, %add3A_1249 : vector<16xi32>
    %gather3A_1251 = tpu.vector_load_idx %arg7[%add3A_1250] : memref<768xf32, #tpu.memory_space<vmem>>[vector<16xi32>], vector<16xf32>,
    %gt3A_1252 = arith.constant -1.000000e+00 : f32
    %gt3A_1253 = vector.broadcast %gt3A_1252 : f32 to vector<16xf32>
    %gt3A_1254 = arith.cmpf ogt, %gather3A_1235, %gt3A_1253 : vector<16xf32>
    %mul3A_1255 = arith.constant 5.200000e+01 : f32
    %mul3A_1256 = vector.broadcast %mul3A_1255 : f32 to vector<16xf32>
    %mul3A_1257 = arith.mulf %gather3A_1239, %mul3A_1256 : vector<16xf32>
    %convert_element_type3A_1258 = arith.fptosi %mul3A_1257 : vector<16xf32> to vector<16xi32>
    %mul3A_1259 = arith.constant 5.200000e+01 : f32
    %mul3A_1260 = vector.broadcast %mul3A_1259 : f32 to vector<16xf32>
    %mul3A_1261 = arith.mulf %gather3A_1243, %mul3A_1260 : vector<16xf32>
    %convert_element_type3A_1262 = arith.fptosi %mul3A_1261 : vector<16xf32> to vector<16xi32>
    %mul3A_1263 = arith.constant 5.200000e+01 : f32
    %mul3A_1264 = vector.broadcast %mul3A_1263 : f32 to vector<16xf32>
    %mul3A_1265 = arith.mulf %gather3A_1247, %mul3A_1264 : vector<16xf32>
    %mul3A_1266 = arith.constant 5.200000e+01 : f32
    %mul3A_1267 = vector.broadcast %mul3A_1266 : f32 to vector<16xf32>
    %mul3A_1268 = arith.mulf %gather3A_1251, %mul3A_1267 : vector<16xf32>
    %mul3A_1269 = arith.mulf %mul3A_1265, %mul3A_1268 : vector<16xf32>
    %min3A_1270 = arith.constant 1.040000e+00 : f32
    %min3A_1271 = vector.broadcast %min3A_1270 : f32 to vector<16xf32>
    %min3A_1272 = arith.minimumf %min3A_1271, %mul3A_1265 : vector<16xf32>
    %min3A_1273 = arith.constant 1.560000e+00 : f32
    %min3A_1274 = vector.broadcast %min3A_1273 : f32 to vector<16xf32>
    %min3A_1275 = arith.minimumf %min3A_1274, %mul3A_1268 : vector<16xf32>
    %mul3A_1276 = arith.mulf %min3A_1272, %min3A_1275 : vector<16xf32>
    %add3A_1277 = arith.constant 1.622400e+00 : f32
    %add3A_1278 = vector.broadcast %add3A_1277 : f32 to vector<16xf32>
    %add3A_1279 = arith.addf %add3A_1278, %mul3A_1269 : vector<16xf32>
    %sub3A_1280 = arith.subf %add3A_1279, %mul3A_1276 : vector<16xf32>
    %div3A_1281 = arith.divf %mul3A_1276, %sub3A_1280 : vector<16xf32>
    %min3A_1282 = arith.constant 2.600000e+00 : f32
    %min3A_1283 = vector.broadcast %min3A_1282 : f32 to vector<16xf32>
    %min3A_1284 = arith.minimumf %min3A_1283, %mul3A_1265 : vector<16xf32>
    %min3A_1285 = arith.constant 3.120000e+00 : f32
    %min3A_1286 = vector.broadcast %min3A_1285 : f32 to vector<16xf32>
    %min3A_1287 = arith.minimumf %min3A_1286, %mul3A_1268 : vector<16xf32>
    %mul3A_1288 = arith.mulf %min3A_1284, %min3A_1287 : vector<16xf32>
    %add3A_1289 = arith.constant 8.112000e+00 : f32
    %add3A_1290 = vector.broadcast %add3A_1289 : f32 to vector<16xf32>
    %add3A_1291 = arith.addf %add3A_1290, %mul3A_1269 : vector<16xf32>
    %sub3A_1292 = arith.subf %add3A_1291, %mul3A_1288 : vector<16xf32>
    %div3A_1293 = arith.divf %mul3A_1288, %sub3A_1292 : vector<16xf32>
    %min3A_1294 = arith.constant 6.240000e+00 : f32
    %min3A_1295 = vector.broadcast %min3A_1294 : f32 to vector<16xf32>
    %min3A_1296 = arith.minimumf %min3A_1295, %mul3A_1265 : vector<16xf32>
    %min3A_1297 = arith.constant 5.200000e+00 : f32
    %min3A_1298 = vector.broadcast %min3A_1297 : f32 to vector<16xf32>
    %min3A_1299 = arith.minimumf %min3A_1298, %mul3A_1268 : vector<16xf32>
    %mul3A_1300 = arith.mulf %min3A_1296, %min3A_1299 : vector<16xf32>
    %add3A_1301 = arith.constant 3.244800e+01 : f32
    %add3A_1302 = vector.broadcast %add3A_1301 : f32 to vector<16xf32>
    %add3A_1303 = arith.addf %add3A_1302, %mul3A_1269 : vector<16xf32>
    %sub3A_1304 = arith.subf %add3A_1303, %mul3A_1300 : vector<16xf32>
    %div3A_1305 = arith.divf %mul3A_1300, %sub3A_1304 : vector<16xf32>
    %max3A_1306 = arith.maximumf %div3A_1281, %div3A_1293 : vector<16xf32>
    %max3A_1307 = arith.maximumf %max3A_1306, %div3A_1305 : vector<16xf32>
    %eq3A_1308 = arith.cmpf oeq, %div3A_1281, %max3A_1307 : vector<16xf32>
    %eq3A_1309 = arith.cmpf oeq, %div3A_1293, %max3A_1307 : vector<16xf32>
    %jit3A_1310 = arith.constant 1 : i32
    %jit3A_1311 = arith.constant 2 : i32
    %broadcast_in_dim3A_1312 = vector.broadcast %jit3A_1310 : i32 to vector<16xi32>
    %broadcast_in_dim3A_1313 = vector.broadcast %jit3A_1311 : i32 to vector<16xi32>
    %select_n3A_1314 = arith.select %eq3A_1309, %broadcast_in_dim3A_1312, %broadcast_in_dim3A_1313 : vector<16xi1>, vector<16xi32>
    %jit3A_1315 = arith.constant 0 : i32
    %broadcast_in_dim3A_1316 = vector.broadcast %jit3A_1315 : i32 to vector<16xi32>
    %select_n3A_1317 = arith.select %eq3A_1308, %broadcast_in_dim3A_1316, %select_n3A_1314 : vector<16xi1>, vector<16xi32>
    %swap3A_1318 = arith.constant 96 : index
    %swap3A_1319 = tpu.vector_load %arg10[%swap3A_1318] {strides = array<i32>} : memref<128xf32, #tpu.memory_space<vmem>>, vector<16xf32>,
    tpu.vector_store %arg10[%swap3A_1318], %max3A_1307 {strides = array<i32>} : memref<128xf32, #tpu.memory_space<vmem>>, vector<16xf32>,
    %swap3A_1320 = arith.constant 96 : index
    %swap3A_1321 = tpu.vector_load %arg11[%swap3A_1320] {strides = array<i32>} : memref<128xi32, #tpu.memory_space<vmem>>, vector<16xi32>,
    tpu.vector_store %arg11[%swap3A_1320], %select_n3A_1317 {strides = array<i32>} : memref<128xi32, #tpu.memory_space<vmem>>, vector<16xi32>,
    %mul3A_1322 = arith.constant 8112 : i32
    %mul3A_1323 = vector.broadcast %mul3A_1322 : i32 to vector<16xi32>
    %mul3A_1324 = arith.muli %iota3A, %mul3A_1323 : vector<16xi32>
    %mul3A_1325 = arith.constant 52 : i32
    %mul3A_1326 = vector.broadcast %mul3A_1325 : i32 to vector<16xi32>
    %mul3A_1327 = arith.muli %convert_element_type3A_1258, %mul3A_1326 : vector<16xi32>
    %add3A_1328 = arith.addi %mul3A_1324, %mul3A_1327 : vector<16xi32>
    %add3A_1329 = arith.addi %add3A_1328, %convert_element_type3A_1262 : vector<16xi32>
    %mul3A_1330 = arith.constant 2704 : i32
    %mul3A_1331 = vector.broadcast %mul3A_1330 : i32 to vector<16xi32>
    %mul3A_1332 = arith.muli %select_n3A_1317, %mul3A_1331 : vector<16xi32>
    %add3A_1333 = arith.addi %add3A_1329, %mul3A_1332 : vector<16xi32>
    %sub3A_1334 = vector.broadcast %mul3A_2 : i32 to vector<16xi32>
    %sub3A_1335 = arith.subi %add3A_1333, %sub3A_1334 : vector<16xi32>
    %ge3A_1336 = arith.constant 0 : i32
    %ge3A_1337 = vector.broadcast %ge3A_1336 : i32 to vector<16xi32>
    %ge3A_1338 = arith.cmpi sge, %sub3A_1335, %ge3A_1337 : vector<16xi32>
    %and3A_1339 = arith.andi %gt3A_1254, %ge3A_1338 : vector<16xi1>
    %lt3A_1340 = arith.constant 4056 : i32
    %lt3A_1341 = vector.broadcast %lt3A_1340 : i32 to vector<16xi32>
    %lt3A_1342 = arith.cmpi slt, %sub3A_1335, %lt3A_1341 : vector<16xi32>
    %and3A_1343 = arith.andi %and3A_1339, %lt3A_1342 : vector<16xi1>
    %jit3A_1344 = arith.constant 0 : i32
    %jit3A_1345 = arith.constant 4063 : i32
    %max3A_1346 = vector.broadcast %jit3A_1344 : i32 to vector<16xi32>
    %max3A_1347 = arith.maxsi %max3A_1346, %sub3A_1335 : vector<16xi32>
    %min3A_1348 = vector.broadcast %jit3A_1345 : i32 to vector<16xi32>
    %min3A_1349 = arith.minsi %min3A_1348, %max3A_1347 : vector<16xi32>
    tpu.vector_store_idx %arg8[%min3A_1349], %broadcast_in_dim3A_5 masked %and3A_1343 : memref<4064xi32, #tpu.memory_space<vmem>>[vector<16xi32>], vector<16xi32>, vector<16xi1>
    %add3A_1350 = arith.constant 0 : i32
    %add3A_1351 = vector.broadcast %add3A_1350 : i32 to vector<16xi32>
    %add3A_1352 = arith.addi %add3A_1329, %add3A_1351 : vector<16xi32>
    %sub3A_1353 = vector.broadcast %mul3A_2 : i32 to vector<16xi32>
    %sub3A_1354 = arith.subi %add3A_1352, %sub3A_1353 : vector<16xi32>
    %gt3A_1355 = arith.constant 5.000000e-01 : f32
    %gt3A_1356 = vector.broadcast %gt3A_1355 : f32 to vector<16xf32>
    %gt3A_1357 = arith.cmpf ogt, %div3A_1281, %gt3A_1356 : vector<16xf32>
    %eq3A_1358 = arith.constant 0 : i32
    %eq3A_1359 = vector.broadcast %eq3A_1358 : i32 to vector<16xi32>
    %eq3A_1360 = arith.cmpi eq, %select_n3A_1317, %eq3A_1359 : vector<16xi32>
    %or3A_1361 = arith.ori %gt3A_1357, %eq3A_1360 : vector<16xi1>
    %and3A_1362 = arith.andi %gt3A_1254, %or3A_1361 : vector<16xi1>
    %ge3A_1363 = arith.constant 0 : i32
    %ge3A_1364 = vector.broadcast %ge3A_1363 : i32 to vector<16xi32>
    %ge3A_1365 = arith.cmpi sge, %sub3A_1354, %ge3A_1364 : vector<16xi32>
    %and3A_1366 = arith.andi %and3A_1362, %ge3A_1365 : vector<16xi1>
    %lt3A_1367 = arith.constant 4056 : i32
    %lt3A_1368 = vector.broadcast %lt3A_1367 : i32 to vector<16xi32>
    %lt3A_1369 = arith.cmpi slt, %sub3A_1354, %lt3A_1368 : vector<16xi32>
    %and3A_1370 = arith.andi %and3A_1366, %lt3A_1369 : vector<16xi1>
    %jit3A_1371 = arith.constant 0 : i32
    %jit3A_1372 = arith.constant 4063 : i32
    %max3A_1373 = vector.broadcast %jit3A_1371 : i32 to vector<16xi32>
    %max3A_1374 = arith.maxsi %max3A_1373, %sub3A_1354 : vector<16xi32>
    %min3A_1375 = vector.broadcast %jit3A_1372 : i32 to vector<16xi32>
    %min3A_1376 = arith.minsi %min3A_1375, %max3A_1374 : vector<16xi32>
    tpu.vector_store_idx %arg9[%min3A_1376], %broadcast_in_dim3A_3 masked %and3A_1370 : memref<4064xi32, #tpu.memory_space<vmem>>[vector<16xi32>], vector<16xi32>, vector<16xi1>
    %add3A_1377 = arith.constant 2704 : i32
    %add3A_1378 = vector.broadcast %add3A_1377 : i32 to vector<16xi32>
    %add3A_1379 = arith.addi %add3A_1329, %add3A_1378 : vector<16xi32>
    %sub3A_1380 = vector.broadcast %mul3A_2 : i32 to vector<16xi32>
    %sub3A_1381 = arith.subi %add3A_1379, %sub3A_1380 : vector<16xi32>
    %gt3A_1382 = arith.constant 5.000000e-01 : f32
    %gt3A_1383 = vector.broadcast %gt3A_1382 : f32 to vector<16xf32>
    %gt3A_1384 = arith.cmpf ogt, %div3A_1293, %gt3A_1383 : vector<16xf32>
    %eq3A_1385 = arith.constant 1 : i32
    %eq3A_1386 = vector.broadcast %eq3A_1385 : i32 to vector<16xi32>
    %eq3A_1387 = arith.cmpi eq, %select_n3A_1317, %eq3A_1386 : vector<16xi32>
    %or3A_1388 = arith.ori %gt3A_1384, %eq3A_1387 : vector<16xi1>
    %and3A_1389 = arith.andi %gt3A_1254, %or3A_1388 : vector<16xi1>
    %ge3A_1390 = arith.constant 0 : i32
    %ge3A_1391 = vector.broadcast %ge3A_1390 : i32 to vector<16xi32>
    %ge3A_1392 = arith.cmpi sge, %sub3A_1381, %ge3A_1391 : vector<16xi32>
    %and3A_1393 = arith.andi %and3A_1389, %ge3A_1392 : vector<16xi1>
    %lt3A_1394 = arith.constant 4056 : i32
    %lt3A_1395 = vector.broadcast %lt3A_1394 : i32 to vector<16xi32>
    %lt3A_1396 = arith.cmpi slt, %sub3A_1381, %lt3A_1395 : vector<16xi32>
    %and3A_1397 = arith.andi %and3A_1393, %lt3A_1396 : vector<16xi1>
    %jit3A_1398 = arith.constant 0 : i32
    %jit3A_1399 = arith.constant 4063 : i32
    %max3A_1400 = vector.broadcast %jit3A_1398 : i32 to vector<16xi32>
    %max3A_1401 = arith.maxsi %max3A_1400, %sub3A_1381 : vector<16xi32>
    %min3A_1402 = vector.broadcast %jit3A_1399 : i32 to vector<16xi32>
    %min3A_1403 = arith.minsi %min3A_1402, %max3A_1401 : vector<16xi32>
    tpu.vector_store_idx %arg9[%min3A_1403], %broadcast_in_dim3A_3 masked %and3A_1397 : memref<4064xi32, #tpu.memory_space<vmem>>[vector<16xi32>], vector<16xi32>, vector<16xi1>
    %add3A_1404 = arith.constant 5408 : i32
    %add3A_1405 = vector.broadcast %add3A_1404 : i32 to vector<16xi32>
    %add3A_1406 = arith.addi %add3A_1329, %add3A_1405 : vector<16xi32>
    %sub3A_1407 = vector.broadcast %mul3A_2 : i32 to vector<16xi32>
    %sub3A_1408 = arith.subi %add3A_1406, %sub3A_1407 : vector<16xi32>
    %gt3A_1409 = arith.constant 5.000000e-01 : f32
    %gt3A_1410 = vector.broadcast %gt3A_1409 : f32 to vector<16xf32>
    %gt3A_1411 = arith.cmpf ogt, %div3A_1305, %gt3A_1410 : vector<16xf32>
    %eq3A_1412 = arith.constant 2 : i32
    %eq3A_1413 = vector.broadcast %eq3A_1412 : i32 to vector<16xi32>
    %eq3A_1414 = arith.cmpi eq, %select_n3A_1317, %eq3A_1413 : vector<16xi32>
    %or3A_1415 = arith.ori %gt3A_1411, %eq3A_1414 : vector<16xi1>
    %and3A_1416 = arith.andi %gt3A_1254, %or3A_1415 : vector<16xi1>
    %ge3A_1417 = arith.constant 0 : i32
    %ge3A_1418 = vector.broadcast %ge3A_1417 : i32 to vector<16xi32>
    %ge3A_1419 = arith.cmpi sge, %sub3A_1408, %ge3A_1418 : vector<16xi32>
    %and3A_1420 = arith.andi %and3A_1416, %ge3A_1419 : vector<16xi1>
    %lt3A_1421 = arith.constant 4056 : i32
    %lt3A_1422 = vector.broadcast %lt3A_1421 : i32 to vector<16xi32>
    %lt3A_1423 = arith.cmpi slt, %sub3A_1408, %lt3A_1422 : vector<16xi32>
    %and3A_1424 = arith.andi %and3A_1420, %lt3A_1423 : vector<16xi1>
    %jit3A_1425 = arith.constant 0 : i32
    %jit3A_1426 = arith.constant 4063 : i32
    %max3A_1427 = vector.broadcast %jit3A_1425 : i32 to vector<16xi32>
    %max3A_1428 = arith.maxsi %max3A_1427, %sub3A_1408 : vector<16xi32>
    %min3A_1429 = vector.broadcast %jit3A_1426 : i32 to vector<16xi32>
    %min3A_1430 = arith.minsi %min3A_1429, %max3A_1428 : vector<16xi32>
    tpu.vector_store_idx %arg9[%min3A_1430], %broadcast_in_dim3A_3 masked %and3A_1424 : memref<4064xi32, #tpu.memory_space<vmem>>[vector<16xi32>], vector<16xi32>, vector<16xi1>
    %add3A_1431 = arith.constant 112 : i32
    %add3A_1432 = vector.broadcast %add3A_1431 : i32 to vector<16xi32>
    %add3A_1433 = arith.addi %add3A_1432, %iota3A : vector<16xi32>
    %mul3A_1434 = arith.constant 6 : i32
    %mul3A_1435 = vector.broadcast %mul3A_1434 : i32 to vector<16xi32>
    %mul3A_1436 = arith.muli %add3A_1433, %mul3A_1435 : vector<16xi32>
    %add3A_1437 = arith.constant 1 : i32
    %add3A_1438 = vector.broadcast %add3A_1437 : i32 to vector<16xi32>
    %add3A_1439 = arith.addi %mul3A_1436, %add3A_1438 : vector<16xi32>
    %gather3A_1440 = tpu.vector_load_idx %arg7[%add3A_1439] : memref<768xf32, #tpu.memory_space<vmem>>[vector<16xi32>], vector<16xf32>,
    %add3A_1441 = arith.constant 2 : i32
    %add3A_1442 = vector.broadcast %add3A_1441 : i32 to vector<16xi32>
    %add3A_1443 = arith.addi %mul3A_1436, %add3A_1442 : vector<16xi32>
    %gather3A_1444 = tpu.vector_load_idx %arg7[%add3A_1443] : memref<768xf32, #tpu.memory_space<vmem>>[vector<16xi32>], vector<16xf32>,
    %add3A_1445 = arith.constant 3 : i32
    %add3A_1446 = vector.broadcast %add3A_1445 : i32 to vector<16xi32>
    %add3A_1447 = arith.addi %mul3A_1436, %add3A_1446 : vector<16xi32>
    %gather3A_1448 = tpu.vector_load_idx %arg7[%add3A_1447] : memref<768xf32, #tpu.memory_space<vmem>>[vector<16xi32>], vector<16xf32>,
    %add3A_1449 = arith.constant 4 : i32
    %add3A_1450 = vector.broadcast %add3A_1449 : i32 to vector<16xi32>
    %add3A_1451 = arith.addi %mul3A_1436, %add3A_1450 : vector<16xi32>
    %gather3A_1452 = tpu.vector_load_idx %arg7[%add3A_1451] : memref<768xf32, #tpu.memory_space<vmem>>[vector<16xi32>], vector<16xf32>,
    %add3A_1453 = arith.constant 5 : i32
    %add3A_1454 = vector.broadcast %add3A_1453 : i32 to vector<16xi32>
    %add3A_1455 = arith.addi %mul3A_1436, %add3A_1454 : vector<16xi32>
    %gather3A_1456 = tpu.vector_load_idx %arg7[%add3A_1455] : memref<768xf32, #tpu.memory_space<vmem>>[vector<16xi32>], vector<16xf32>,
    %gt3A_1457 = arith.constant -1.000000e+00 : f32
    %gt3A_1458 = vector.broadcast %gt3A_1457 : f32 to vector<16xf32>
    %gt3A_1459 = arith.cmpf ogt, %gather3A_1440, %gt3A_1458 : vector<16xf32>
    %mul3A_1460 = arith.constant 5.200000e+01 : f32
    %mul3A_1461 = vector.broadcast %mul3A_1460 : f32 to vector<16xf32>
    %mul3A_1462 = arith.mulf %gather3A_1444, %mul3A_1461 : vector<16xf32>
    %convert_element_type3A_1463 = arith.fptosi %mul3A_1462 : vector<16xf32> to vector<16xi32>
    %mul3A_1464 = arith.constant 5.200000e+01 : f32
    %mul3A_1465 = vector.broadcast %mul3A_1464 : f32 to vector<16xf32>
    %mul3A_1466 = arith.mulf %gather3A_1448, %mul3A_1465 : vector<16xf32>
    %convert_element_type3A_1467 = arith.fptosi %mul3A_1466 : vector<16xf32> to vector<16xi32>
    %mul3A_1468 = arith.constant 5.200000e+01 : f32
    %mul3A_1469 = vector.broadcast %mul3A_1468 : f32 to vector<16xf32>
    %mul3A_1470 = arith.mulf %gather3A_1452, %mul3A_1469 : vector<16xf32>
    %mul3A_1471 = arith.constant 5.200000e+01 : f32
    %mul3A_1472 = vector.broadcast %mul3A_1471 : f32 to vector<16xf32>
    %mul3A_1473 = arith.mulf %gather3A_1456, %mul3A_1472 : vector<16xf32>
    %mul3A_1474 = arith.mulf %mul3A_1470, %mul3A_1473 : vector<16xf32>
    %min3A_1475 = arith.constant 1.040000e+00 : f32
    %min3A_1476 = vector.broadcast %min3A_1475 : f32 to vector<16xf32>
    %min3A_1477 = arith.minimumf %min3A_1476, %mul3A_1470 : vector<16xf32>
    %min3A_1478 = arith.constant 1.560000e+00 : f32
    %min3A_1479 = vector.broadcast %min3A_1478 : f32 to vector<16xf32>
    %min3A_1480 = arith.minimumf %min3A_1479, %mul3A_1473 : vector<16xf32>
    %mul3A_1481 = arith.mulf %min3A_1477, %min3A_1480 : vector<16xf32>
    %add3A_1482 = arith.constant 1.622400e+00 : f32
    %add3A_1483 = vector.broadcast %add3A_1482 : f32 to vector<16xf32>
    %add3A_1484 = arith.addf %add3A_1483, %mul3A_1474 : vector<16xf32>
    %sub3A_1485 = arith.subf %add3A_1484, %mul3A_1481 : vector<16xf32>
    %div3A_1486 = arith.divf %mul3A_1481, %sub3A_1485 : vector<16xf32>
    %min3A_1487 = arith.constant 2.600000e+00 : f32
    %min3A_1488 = vector.broadcast %min3A_1487 : f32 to vector<16xf32>
    %min3A_1489 = arith.minimumf %min3A_1488, %mul3A_1470 : vector<16xf32>
    %min3A_1490 = arith.constant 3.120000e+00 : f32
    %min3A_1491 = vector.broadcast %min3A_1490 : f32 to vector<16xf32>
    %min3A_1492 = arith.minimumf %min3A_1491, %mul3A_1473 : vector<16xf32>
    %mul3A_1493 = arith.mulf %min3A_1489, %min3A_1492 : vector<16xf32>
    %add3A_1494 = arith.constant 8.112000e+00 : f32
    %add3A_1495 = vector.broadcast %add3A_1494 : f32 to vector<16xf32>
    %add3A_1496 = arith.addf %add3A_1495, %mul3A_1474 : vector<16xf32>
    %sub3A_1497 = arith.subf %add3A_1496, %mul3A_1493 : vector<16xf32>
    %div3A_1498 = arith.divf %mul3A_1493, %sub3A_1497 : vector<16xf32>
    %min3A_1499 = arith.constant 6.240000e+00 : f32
    %min3A_1500 = vector.broadcast %min3A_1499 : f32 to vector<16xf32>
    %min3A_1501 = arith.minimumf %min3A_1500, %mul3A_1470 : vector<16xf32>
    %min3A_1502 = arith.constant 5.200000e+00 : f32
    %min3A_1503 = vector.broadcast %min3A_1502 : f32 to vector<16xf32>
    %min3A_1504 = arith.minimumf %min3A_1503, %mul3A_1473 : vector<16xf32>
    %mul3A_1505 = arith.mulf %min3A_1501, %min3A_1504 : vector<16xf32>
    %add3A_1506 = arith.constant 3.244800e+01 : f32
    %add3A_1507 = vector.broadcast %add3A_1506 : f32 to vector<16xf32>
    %add3A_1508 = arith.addf %add3A_1507, %mul3A_1474 : vector<16xf32>
    %sub3A_1509 = arith.subf %add3A_1508, %mul3A_1505 : vector<16xf32>
    %div3A_1510 = arith.divf %mul3A_1505, %sub3A_1509 : vector<16xf32>
    %max3A_1511 = arith.maximumf %div3A_1486, %div3A_1498 : vector<16xf32>
    %max3A_1512 = arith.maximumf %max3A_1511, %div3A_1510 : vector<16xf32>
    %eq3A_1513 = arith.cmpf oeq, %div3A_1486, %max3A_1512 : vector<16xf32>
    %eq3A_1514 = arith.cmpf oeq, %div3A_1498, %max3A_1512 : vector<16xf32>
    %jit3A_1515 = arith.constant 1 : i32
    %jit3A_1516 = arith.constant 2 : i32
    %broadcast_in_dim3A_1517 = vector.broadcast %jit3A_1515 : i32 to vector<16xi32>
    %broadcast_in_dim3A_1518 = vector.broadcast %jit3A_1516 : i32 to vector<16xi32>
    %select_n3A_1519 = arith.select %eq3A_1514, %broadcast_in_dim3A_1517, %broadcast_in_dim3A_1518 : vector<16xi1>, vector<16xi32>
    %jit3A_1520 = arith.constant 0 : i32
    %broadcast_in_dim3A_1521 = vector.broadcast %jit3A_1520 : i32 to vector<16xi32>
    %select_n3A_1522 = arith.select %eq3A_1513, %broadcast_in_dim3A_1521, %select_n3A_1519 : vector<16xi1>, vector<16xi32>
    %swap3A_1523 = arith.constant 112 : index
    %swap3A_1524 = tpu.vector_load %arg10[%swap3A_1523] {strides = array<i32>} : memref<128xf32, #tpu.memory_space<vmem>>, vector<16xf32>,
    tpu.vector_store %arg10[%swap3A_1523], %max3A_1512 {strides = array<i32>} : memref<128xf32, #tpu.memory_space<vmem>>, vector<16xf32>,
    %swap3A_1525 = arith.constant 112 : index
    %swap3A_1526 = tpu.vector_load %arg11[%swap3A_1525] {strides = array<i32>} : memref<128xi32, #tpu.memory_space<vmem>>, vector<16xi32>,
    tpu.vector_store %arg11[%swap3A_1525], %select_n3A_1522 {strides = array<i32>} : memref<128xi32, #tpu.memory_space<vmem>>, vector<16xi32>,
    %mul3A_1527 = arith.constant 8112 : i32
    %mul3A_1528 = vector.broadcast %mul3A_1527 : i32 to vector<16xi32>
    %mul3A_1529 = arith.muli %iota3A, %mul3A_1528 : vector<16xi32>
    %mul3A_1530 = arith.constant 52 : i32
    %mul3A_1531 = vector.broadcast %mul3A_1530 : i32 to vector<16xi32>
    %mul3A_1532 = arith.muli %convert_element_type3A_1463, %mul3A_1531 : vector<16xi32>
    %add3A_1533 = arith.addi %mul3A_1529, %mul3A_1532 : vector<16xi32>
    %add3A_1534 = arith.addi %add3A_1533, %convert_element_type3A_1467 : vector<16xi32>
    %mul3A_1535 = arith.constant 2704 : i32
    %mul3A_1536 = vector.broadcast %mul3A_1535 : i32 to vector<16xi32>
    %mul3A_1537 = arith.muli %select_n3A_1522, %mul3A_1536 : vector<16xi32>
    %add3A_1538 = arith.addi %add3A_1534, %mul3A_1537 : vector<16xi32>
    %sub3A_1539 = vector.broadcast %mul3A_2 : i32 to vector<16xi32>
    %sub3A_1540 = arith.subi %add3A_1538, %sub3A_1539 : vector<16xi32>
    %ge3A_1541 = arith.constant 0 : i32
    %ge3A_1542 = vector.broadcast %ge3A_1541 : i32 to vector<16xi32>
    %ge3A_1543 = arith.cmpi sge, %sub3A_1540, %ge3A_1542 : vector<16xi32>
    %and3A_1544 = arith.andi %gt3A_1459, %ge3A_1543 : vector<16xi1>
    %lt3A_1545 = arith.constant 4056 : i32
    %lt3A_1546 = vector.broadcast %lt3A_1545 : i32 to vector<16xi32>
    %lt3A_1547 = arith.cmpi slt, %sub3A_1540, %lt3A_1546 : vector<16xi32>
    %and3A_1548 = arith.andi %and3A_1544, %lt3A_1547 : vector<16xi1>
    %jit3A_1549 = arith.constant 0 : i32
    %jit3A_1550 = arith.constant 4063 : i32
    %max3A_1551 = vector.broadcast %jit3A_1549 : i32 to vector<16xi32>
    %max3A_1552 = arith.maxsi %max3A_1551, %sub3A_1540 : vector<16xi32>
    %min3A_1553 = vector.broadcast %jit3A_1550 : i32 to vector<16xi32>
    %min3A_1554 = arith.minsi %min3A_1553, %max3A_1552 : vector<16xi32>
    tpu.vector_store_idx %arg8[%min3A_1554], %broadcast_in_dim3A_5 masked %and3A_1548 : memref<4064xi32, #tpu.memory_space<vmem>>[vector<16xi32>], vector<16xi32>, vector<16xi1>
    %add3A_1555 = arith.constant 0 : i32
    %add3A_1556 = vector.broadcast %add3A_1555 : i32 to vector<16xi32>
    %add3A_1557 = arith.addi %add3A_1534, %add3A_1556 : vector<16xi32>
    %sub3A_1558 = vector.broadcast %mul3A_2 : i32 to vector<16xi32>
    %sub3A_1559 = arith.subi %add3A_1557, %sub3A_1558 : vector<16xi32>
    %gt3A_1560 = arith.constant 5.000000e-01 : f32
    %gt3A_1561 = vector.broadcast %gt3A_1560 : f32 to vector<16xf32>
    %gt3A_1562 = arith.cmpf ogt, %div3A_1486, %gt3A_1561 : vector<16xf32>
    %eq3A_1563 = arith.constant 0 : i32
    %eq3A_1564 = vector.broadcast %eq3A_1563 : i32 to vector<16xi32>
    %eq3A_1565 = arith.cmpi eq, %select_n3A_1522, %eq3A_1564 : vector<16xi32>
    %or3A_1566 = arith.ori %gt3A_1562, %eq3A_1565 : vector<16xi1>
    %and3A_1567 = arith.andi %gt3A_1459, %or3A_1566 : vector<16xi1>
    %ge3A_1568 = arith.constant 0 : i32
    %ge3A_1569 = vector.broadcast %ge3A_1568 : i32 to vector<16xi32>
    %ge3A_1570 = arith.cmpi sge, %sub3A_1559, %ge3A_1569 : vector<16xi32>
    %and3A_1571 = arith.andi %and3A_1567, %ge3A_1570 : vector<16xi1>
    %lt3A_1572 = arith.constant 4056 : i32
    %lt3A_1573 = vector.broadcast %lt3A_1572 : i32 to vector<16xi32>
    %lt3A_1574 = arith.cmpi slt, %sub3A_1559, %lt3A_1573 : vector<16xi32>
    %and3A_1575 = arith.andi %and3A_1571, %lt3A_1574 : vector<16xi1>
    %jit3A_1576 = arith.constant 0 : i32
    %jit3A_1577 = arith.constant 4063 : i32
    %max3A_1578 = vector.broadcast %jit3A_1576 : i32 to vector<16xi32>
    %max3A_1579 = arith.maxsi %max3A_1578, %sub3A_1559 : vector<16xi32>
    %min3A_1580 = vector.broadcast %jit3A_1577 : i32 to vector<16xi32>
    %min3A_1581 = arith.minsi %min3A_1580, %max3A_1579 : vector<16xi32>
    tpu.vector_store_idx %arg9[%min3A_1581], %broadcast_in_dim3A_3 masked %and3A_1575 : memref<4064xi32, #tpu.memory_space<vmem>>[vector<16xi32>], vector<16xi32>, vector<16xi1>
    %add3A_1582 = arith.constant 2704 : i32
    %add3A_1583 = vector.broadcast %add3A_1582 : i32 to vector<16xi32>
    %add3A_1584 = arith.addi %add3A_1534, %add3A_1583 : vector<16xi32>
    %sub3A_1585 = vector.broadcast %mul3A_2 : i32 to vector<16xi32>
    %sub3A_1586 = arith.subi %add3A_1584, %sub3A_1585 : vector<16xi32>
    %gt3A_1587 = arith.constant 5.000000e-01 : f32
    %gt3A_1588 = vector.broadcast %gt3A_1587 : f32 to vector<16xf32>
    %gt3A_1589 = arith.cmpf ogt, %div3A_1498, %gt3A_1588 : vector<16xf32>
    %eq3A_1590 = arith.constant 1 : i32
    %eq3A_1591 = vector.broadcast %eq3A_1590 : i32 to vector<16xi32>
    %eq3A_1592 = arith.cmpi eq, %select_n3A_1522, %eq3A_1591 : vector<16xi32>
    %or3A_1593 = arith.ori %gt3A_1589, %eq3A_1592 : vector<16xi1>
    %and3A_1594 = arith.andi %gt3A_1459, %or3A_1593 : vector<16xi1>
    %ge3A_1595 = arith.constant 0 : i32
    %ge3A_1596 = vector.broadcast %ge3A_1595 : i32 to vector<16xi32>
    %ge3A_1597 = arith.cmpi sge, %sub3A_1586, %ge3A_1596 : vector<16xi32>
    %and3A_1598 = arith.andi %and3A_1594, %ge3A_1597 : vector<16xi1>
    %lt3A_1599 = arith.constant 4056 : i32
    %lt3A_1600 = vector.broadcast %lt3A_1599 : i32 to vector<16xi32>
    %lt3A_1601 = arith.cmpi slt, %sub3A_1586, %lt3A_1600 : vector<16xi32>
    %and3A_1602 = arith.andi %and3A_1598, %lt3A_1601 : vector<16xi1>
    %jit3A_1603 = arith.constant 0 : i32
    %jit3A_1604 = arith.constant 4063 : i32
    %max3A_1605 = vector.broadcast %jit3A_1603 : i32 to vector<16xi32>
    %max3A_1606 = arith.maxsi %max3A_1605, %sub3A_1586 : vector<16xi32>
    %min3A_1607 = vector.broadcast %jit3A_1604 : i32 to vector<16xi32>
    %min3A_1608 = arith.minsi %min3A_1607, %max3A_1606 : vector<16xi32>
    tpu.vector_store_idx %arg9[%min3A_1608], %broadcast_in_dim3A_3 masked %and3A_1602 : memref<4064xi32, #tpu.memory_space<vmem>>[vector<16xi32>], vector<16xi32>, vector<16xi1>
    %add3A_1609 = arith.constant 5408 : i32
    %add3A_1610 = vector.broadcast %add3A_1609 : i32 to vector<16xi32>
    %add3A_1611 = arith.addi %add3A_1534, %add3A_1610 : vector<16xi32>
    %sub3A_1612 = vector.broadcast %mul3A_2 : i32 to vector<16xi32>
    %sub3A_1613 = arith.subi %add3A_1611, %sub3A_1612 : vector<16xi32>
    %gt3A_1614 = arith.constant 5.000000e-01 : f32
    %gt3A_1615 = vector.broadcast %gt3A_1614 : f32 to vector<16xf32>
    %gt3A_1616 = arith.cmpf ogt, %div3A_1510, %gt3A_1615 : vector<16xf32>
    %eq3A_1617 = arith.constant 2 : i32
    %eq3A_1618 = vector.broadcast %eq3A_1617 : i32 to vector<16xi32>
    %eq3A_1619 = arith.cmpi eq, %select_n3A_1522, %eq3A_1618 : vector<16xi32>
    %or3A_1620 = arith.ori %gt3A_1616, %eq3A_1619 : vector<16xi1>
    %and3A_1621 = arith.andi %gt3A_1459, %or3A_1620 : vector<16xi1>
    %ge3A_1622 = arith.constant 0 : i32
    %ge3A_1623 = vector.broadcast %ge3A_1622 : i32 to vector<16xi32>
    %ge3A_1624 = arith.cmpi sge, %sub3A_1613, %ge3A_1623 : vector<16xi32>
    %and3A_1625 = arith.andi %and3A_1621, %ge3A_1624 : vector<16xi1>
    %lt3A_1626 = arith.constant 4056 : i32
    %lt3A_1627 = vector.broadcast %lt3A_1626 : i32 to vector<16xi32>
    %lt3A_1628 = arith.cmpi slt, %sub3A_1613, %lt3A_1627 : vector<16xi32>
    %and3A_1629 = arith.andi %and3A_1625, %lt3A_1628 : vector<16xi1>
    %jit3A_1630 = arith.constant 0 : i32
    %jit3A_1631 = arith.constant 4063 : i32
    %max3A_1632 = vector.broadcast %jit3A_1630 : i32 to vector<16xi32>
    %max3A_1633 = arith.maxsi %max3A_1632, %sub3A_1613 : vector<16xi32>
    %min3A_1634 = vector.broadcast %jit3A_1631 : i32 to vector<16xi32>
    %min3A_1635 = arith.minsi %min3A_1634, %max3A_1633 : vector<16xi32>
    tpu.vector_store_idx %arg9[%min3A_1635], %broadcast_in_dim3A_3 masked %and3A_1629 : memref<4064xi32, #tpu.memory_space<vmem>>[vector<16xi32>], vector<16xi32>, vector<16xi1>
    "tpu.region"() ({
      %run_scoped3A = tpu.sem_alloc : memref<!tpu.dma_semaphore, #tpu.memory_space<semaphore_mem>>
      %dma_start3A = arith.constant 0 : i32
      %dma_start3A_1640 = tpu.memref_slice %arg8[%dma_start3A] : memref<4064xi32, #tpu.memory_space<vmem>> -> memref<4056xi32, #tpu.memory_space<vmem>>
      %dma_start3A_1641 = tpu.memref_slice %arg3[%mul3A_2] : memref<129792xi32, #tpu.memory_space<hbm>> -> memref<4056xi32, #tpu.memory_space<hbm>>
      %dma_start3A_1642 = tpu.memref_slice %arg3[%mul3A_2] : memref<129792xi32, #tpu.memory_space<hbm>> -> memref<4056xi32, #tpu.memory_space<hbm>>
      %dma_start3A_1643 = arith.constant 0 : i32
      %dma_start3A_1644 = tpu.memref_slice %arg8[%dma_start3A_1643] : memref<4064xi32, #tpu.memory_space<vmem>> -> memref<4056xi32, #tpu.memory_space<vmem>>
      tpu.enqueue_dma source(%dma_start3A_1644 : memref<4056xi32, #tpu.memory_space<vmem>>) target(%dma_start3A_1642 : memref<4056xi32, #tpu.memory_space<hbm>>) target_semaphore(%run_scoped3A : memref<!tpu.dma_semaphore, #tpu.memory_space<semaphore_mem>>)
      %dma_wait3A = arith.constant 0 : i32
      %dma_wait3A_1645 = tpu.memref_slice %arg8[%dma_wait3A] : memref<4064xi32, #tpu.memory_space<vmem>> -> memref<4056xi32, #tpu.memory_space<vmem>>
      %dma_wait3A_1646 = tpu.memref_slice %arg3[%mul3A_2] : memref<129792xi32, #tpu.memory_space<hbm>> -> memref<4056xi32, #tpu.memory_space<hbm>>
      %dma_wait3A_1647 = tpu.memref_slice %arg3[%mul3A_2] : memref<129792xi32, #tpu.memory_space<hbm>> -> memref<4056xi32, #tpu.memory_space<hbm>>
      %dma_wait3A_1648 = arith.constant 0 : i32
      %dma_wait3A_1649 = tpu.memref_slice %arg8[%dma_wait3A_1648] : memref<4064xi32, #tpu.memory_space<vmem>> -> memref<4056xi32, #tpu.memory_space<vmem>>
      tpu.wait_dma2 semaphore(%run_scoped3A : memref<!tpu.dma_semaphore, #tpu.memory_space<semaphore_mem>>) src(%dma_wait3A_1649 : memref<4056xi32, #tpu.memory_space<vmem>>) dst(%dma_wait3A_1647 : memref<4056xi32, #tpu.memory_space<hbm>>)
      tpu.yield
    }) : () -> ()
    "tpu.region"() ({
      %run_scoped3A = tpu.sem_alloc : memref<!tpu.dma_semaphore, #tpu.memory_space<semaphore_mem>>
      %dma_start3A = arith.constant 0 : i32
      %dma_start3A_1640 = tpu.memref_slice %arg9[%dma_start3A] : memref<4064xi32, #tpu.memory_space<vmem>> -> memref<4056xi32, #tpu.memory_space<vmem>>
      %dma_start3A_1641 = tpu.memref_slice %arg4[%mul3A_2] : memref<129792xi32, #tpu.memory_space<hbm>> -> memref<4056xi32, #tpu.memory_space<hbm>>
      %dma_start3A_1642 = tpu.memref_slice %arg4[%mul3A_2] : memref<129792xi32, #tpu.memory_space<hbm>> -> memref<4056xi32, #tpu.memory_space<hbm>>
      %dma_start3A_1643 = arith.constant 0 : i32
      %dma_start3A_1644 = tpu.memref_slice %arg9[%dma_start3A_1643] : memref<4064xi32, #tpu.memory_space<vmem>> -> memref<4056xi32, #tpu.memory_space<vmem>>
      tpu.enqueue_dma source(%dma_start3A_1644 : memref<4056xi32, #tpu.memory_space<vmem>>) target(%dma_start3A_1642 : memref<4056xi32, #tpu.memory_space<hbm>>) target_semaphore(%run_scoped3A : memref<!tpu.dma_semaphore, #tpu.memory_space<semaphore_mem>>)
      %dma_wait3A = arith.constant 0 : i32
      %dma_wait3A_1645 = tpu.memref_slice %arg9[%dma_wait3A] : memref<4064xi32, #tpu.memory_space<vmem>> -> memref<4056xi32, #tpu.memory_space<vmem>>
      %dma_wait3A_1646 = tpu.memref_slice %arg4[%mul3A_2] : memref<129792xi32, #tpu.memory_space<hbm>> -> memref<4056xi32, #tpu.memory_space<hbm>>
      %dma_wait3A_1647 = tpu.memref_slice %arg4[%mul3A_2] : memref<129792xi32, #tpu.memory_space<hbm>> -> memref<4056xi32, #tpu.memory_space<hbm>>
      %dma_wait3A_1648 = arith.constant 0 : i32
      %dma_wait3A_1649 = tpu.memref_slice %arg9[%dma_wait3A_1648] : memref<4064xi32, #tpu.memory_space<vmem>> -> memref<4056xi32, #tpu.memory_space<vmem>>
      tpu.wait_dma2 semaphore(%run_scoped3A : memref<!tpu.dma_semaphore, #tpu.memory_space<semaphore_mem>>) src(%dma_wait3A_1649 : memref<4056xi32, #tpu.memory_space<vmem>>) dst(%dma_wait3A_1647 : memref<4056xi32, #tpu.memory_space<hbm>>)
      tpu.yield
    }) : () -> ()
    %eq3A_1636 = arith.constant 0 : i32
    %eq3A_1637 = arith.cmpi eq, %add3A, %eq3A_1636 : i32
    %convert_element_type3A_1638 = arith.extui %eq3A_1637 : i1 to i32
    %cond3A = arith.constant 0 : i32
    %cond3A_1639 = arith.cmpi ne, %convert_element_type3A_1638, %cond3A : i32
    scf.if %cond3A_1639 {
      "tpu.region"() ({
        %run_scoped3A = tpu.sem_alloc : memref<!tpu.dma_semaphore, #tpu.memory_space<semaphore_mem>>
        tpu.enqueue_dma source(%arg10 : memref<128xf32, #tpu.memory_space<vmem>>) target(%arg5 : memref<128xf32, #tpu.memory_space<hbm>>) target_semaphore(%run_scoped3A : memref<!tpu.dma_semaphore, #tpu.memory_space<semaphore_mem>>)
        tpu.wait_dma2 semaphore(%run_scoped3A : memref<!tpu.dma_semaphore, #tpu.memory_space<semaphore_mem>>) src(%arg10 : memref<128xf32, #tpu.memory_space<vmem>>) dst(%arg5 : memref<128xf32, #tpu.memory_space<hbm>>)
        tpu.yield
      }) : () -> ()
      "tpu.region"() ({
        %run_scoped3A = tpu.sem_alloc : memref<!tpu.dma_semaphore, #tpu.memory_space<semaphore_mem>>
        tpu.enqueue_dma source(%arg11 : memref<128xi32, #tpu.memory_space<vmem>>) target(%arg6 : memref<128xi32, #tpu.memory_space<hbm>>) target_semaphore(%run_scoped3A : memref<!tpu.dma_semaphore, #tpu.memory_space<semaphore_mem>>)
        tpu.wait_dma2 semaphore(%run_scoped3A : memref<!tpu.dma_semaphore, #tpu.memory_space<semaphore_mem>>) src(%arg11 : memref<128xi32, #tpu.memory_space<vmem>>) dst(%arg6 : memref<128xi32, #tpu.memory_space<hbm>>)
        tpu.yield
      }) : () -> ()
    } else {
    }
    return
  }
}

</mosaic_0001>

<sc_bundles>
// kernel: kernel.3.cloned.1.call-start
scs
__scs_entry_jumppad:
0x0: {  	(pc) =	sbr.rel $0x88, $3  }
0x1: {  	(tag) =	ssettag $0x0;
	lr =	simm.s32 $0x1  }
0x2: {  	[smem:$0x3FA0] =	sst lr;
	_ =	strace $0xD0000000  }
0x3: {  	_ = 	snop  }
0x4: {  	_ = 	snop  }
0x5: {  	_ = 	snop  }
0x6: {  	_ = 	snop  }
0x7: {  	_ = 	snop  }
__scs_overlays_trampoline_lowered:
0x8: {  	[smem:$0x3FAF] =	sst s0  }
0x9: {  	[smem:$0x3FB0] =	sst s1  }
0xa: {  	[smem:$0x3FB1] =	sst s2  }
0xb: {  	[smem:$0x3FB2] =	sst s3  }
0xc: {  	[smem:$0x3FB3] =	sst s4  }
0xd: {  	[smem:$0x3FB4] =	sst s5  }
0xe: {  	[smem:$0x3FB5] =	sst s6  }
0xf: {  	[smem:$0x3FB6] =	sst s7  }
0x10: {  	[smem:$0x3FB7] =	sst s8  }
0x11: {  	[smem:$0x3FB8] =	sst s9;
	s0 =	simm.s32 @!p0 $0x0  }
0x12: {  	s1 =	sld [smem:$0x3F9E];
	s0 =	simm.s32 @p0 $0x1  }
0x13: {  	[smem:$0x3FB9] =	sst s0;
	s0 =	simm.s32 @!p1 $0x0  }
0x14: {  	s2 =	sld [smem:$0x3F9D];
	s0 =	simm.s32 @p1 $0x1  }
0x15: {  	[smem:$0x3FBA] =	sst s0;
	s0 =	simm.s32 @!p2 $0x0  }
0x16: {  	s3 =	sld [smem:$0x3FDB];
	s0 =	simm.s32 @p2 $0x1  }
0x17: {  	s4 =	simm.s32 $0x1BF5;
	[smem:$0x3FBC] =	sst s0  }
0x18: {  	s0 =	sld [smem:$0x3F9F];
	_ =	swait.ge [sflag:s4], $0x0  }
0x19: {  	s7 =	sld [smem:$0x3FA0]  }
0x1a: {  	s8 =	sadd.s32 $0xFFFFE003, lr  }
0x1b: {  	s9 =	sadd.s32 $0xFFFFFEF7, lr;
	s5 =	simm.s32 $0xFFFFFFFF;
	p2 =	slt.u32 s8, $0xFFFFF086  }
0x1c: {  	p1 =	slt.u32 s9, $0xF7A;
	s5 =	simm.s32 @!p2 $0x0  }
0x1d: {  	s5 =	simm.s32 @p1 $0x1;
	p0 =	seq.s32 s7, s2  }
0x1e: {  	s7 =	smul.u32 @!p0 $0xF7A, s2;
	p2 =	seq.s32 @!p0 s5, $0x0  }
0x1f: {  	s9 =	smul.u32 $0xF7A, s1;
	s8 =	simm.s32 @!p0 $0x1BF5;
	p2 =	por !p2, p0  }
0x20: {  	[sflag:s8] =	ssyncset.s32 @!p0 $0xFFFFF086;
	s6 =	sadd.s32 @!p0 s3, s7;
	s7 =	simm.s32 @!p0 $0x108  }
0x21: {  	s3 =	sadd.s32 s3, s9;
	s6 =	sadd.s32 @!p0 $0x88, s6;
	s7 =	simm.s32 @p2 $0x1082  }
0x22: {  	[simem:s7], [sflag:s8] =	dma.local @!p0 [hbm:s6], $0xF7A  }
0x23: {  	s9 =	sor.u32 $0xD0000000, s2;
	s6 =	simm.s32 $0x108;
	_ =	swait.ge @!p0 [sflag:s8], $0x0  }
0x24: {  	s3 =	sadd.s32 $0x88, s3;
	s6 =	simm.s32 @!p1 $0x1082;
	[sflag:s4] =	ssyncset.s32 $0xFFFFF086  }
0x25: {  	[simem:s6], [sflag:s4] =	dma.local [hbm:s3], $0xF7A  }
0x26: {  	[smem:$0x3FA0] =	sst s1;
	(tag) =	ssettag s2;
	_ =	strace s9  }
0x27: {  	s1 =	sld [smem:$0x3FB0]  }
0x28: {  	s2 =	sld [smem:$0x3FB1]  }
0x29: {  	s4 =	sld [smem:$0x3FB3]  }
0x2a: {  	p0 =	seq.s32 s5, $0x0;
	s5 =	sld [smem:$0x3FB4]  }
0x2b: {  	s6 =	sld [smem:$0x3FB5]  }
0x2c: {  	s7 =	sld [smem:$0x3FB6]  }
0x2d: {  	s3 =	simm.s32 $0x108;
	s8 =	sld [smem:$0x3FB7]  }
0x2e: {  	s3 =	simm.s32 @!p0 $0x1082;
	s9 =	sld [smem:$0x3FB8]  }
0x2f: {  	lr =	sadd.s32 s0, s3;
	s0 =	sld [smem:$0x3FAF]  }
0x30: {  	s3 =	sld [smem:$0x3FB2]  }
0x31: {  	[smem:$0x3FBB] =	sst s10  }
0x32: {  	s10 =	sld [smem:$0x3FB9];
	_ =	sdelay $0x3  }
0x33: {  	p0 =	seq.s32 s10, $0x1;
	s10 =	sld [smem:$0x3FBB];
	_ =	sdelay $0x3  }
0x34: {  	[smem:$0x3FBB] =	sst s10  }
0x35: {  	s10 =	sld [smem:$0x3FBA];
	_ =	sdelay $0x3  }
0x36: {  	p1 =	seq.s32 s10, $0x1;
	s10 =	sld [smem:$0x3FBB];
	_ =	sdelay $0x3  }
0x37: {  	[smem:$0x3FBB] =	sst s10  }
0x38: {  	s10 =	sld [smem:$0x3FBC]  }
0x39: {  	_ = 	snop;
	(pc) =	sbr.ind lr, $3  }
0x3a: {  	_ = 	snop  }
0x3b: {  	_ = 	snop  }
0x3c: {  	p2 =	seq.s32 s10, $0x1;
	s10 =	sld [smem:$0x3FBB]  }
0x3d: {  	_ =	shalt  }
0x3e: {  	_ =	shalt  }
0x3f: {  	_ =	shalt  }
0x40: {  	_ =	shalt  }
0x41: {  	_ =	shalt  }
0x42: {  	_ =	shalt  }
0x43: {  	_ =	shalt  }
0x44: {  	_ =	shalt  }
0x45: {  	_ =	shalt  }
0x46: {  	_ =	shalt  }
0x47: {  	_ =	shalt  }
0x48: {  	_ =	shalt  }
0x49: {  	_ =	shalt  }
0x4a: {  	_ =	shalt  }
0x4b: {  	_ =	shalt  }
0x4c: {  	_ =	shalt  }
0x4d: {  	_ =	shalt  }
0x4e: {  	_ =	shalt  }
0x4f: {  	_ =	shalt  }
0x50: {  	_ =	shalt  }
0x51: {  	_ =	shalt  }
0x52: {  	_ =	shalt  }
0x53: {  	_ =	shalt  }
0x54: {  	_ =	shalt  }
0x55: {  	_ =	shalt  }
0x56: {  	_ =	shalt  }
0x57: {  	_ =	shalt  }
0x58: {  	_ =	shalt  }
0x59: {  	_ =	shalt  }
0x5a: {  	_ =	shalt  }
0x5b: {  	_ =	shalt  }
0x5c: {  	_ =	shalt  }
0x5d: {  	_ =	shalt  }
0x5e: {  	_ =	shalt  }
0x5f: {  	_ =	shalt  }
0x60: {  	_ =	shalt  }
0x61: {  	_ =	shalt  }
0x62: {  	_ =	shalt  }
0x63: {  	_ =	shalt  }
0x64: {  	_ =	shalt  }
0x65: {  	_ =	shalt  }
0x66: {  	_ =	shalt  }
0x67: {  	_ =	shalt  }
0x68: {  	_ =	shalt  }
0x69: {  	_ =	shalt  }
0x6a: {  	_ =	shalt  }
0x6b: {  	_ =	shalt  }
0x6c: {  	_ =	shalt  }
0x6d: {  	_ =	shalt  }
0x6e: {  	_ =	shalt  }
0x6f: {  	_ =	shalt  }
0x70: {  	_ =	shalt  }
0x71: {  	_ =	shalt  }
0x72: {  	_ =	shalt  }
0x73: {  	_ =	shalt  }
0x74: {  	_ =	shalt  }
0x75: {  	_ =	shalt  }
0x76: {  	_ =	shalt  }
0x77: {  	_ =	shalt  }
0x78: {  	_ =	shalt  }
0x79: {  	_ =	shalt  }
0x7a: {  	_ =	shalt  }
0x7b: {  	_ =	shalt  }
0x7c: {  	_ =	shalt  }
0x7d: {  	_ =	shalt  }
0x7e: {  	_ =	shalt  }
0x7f: {  	_ =	shalt  }
0x80: {  	_ =	shalt  }
0x81: {  	_ =	shalt  }
0x82: {  	_ =	shalt  }
0x83: {  	_ =	shalt  }
0x84: {  	_ =	shalt  }
0x85: {  	_ =	shalt  }
0x86: {  	_ =	shalt  }
0x87: {  	_ =	shalt  }
.Lfunc_end0:
.L_simem_size_0:
called_computation_lowered:
.L_overlay_start_0:
0x88: {  	s2 =	sld [smem:$0x3FD9]  }
0x89: {  	s3 =	sld [smem:$0x3FFE];
	_ =	sdelay $0x1  }
0x8a: {  	s1 =	srdreg.scid  }
0x8b: {  	s0 =	sand.u32 $0x1, s1  }
0x8c: {  	s14 =	sshll.u32 s0, $0xA;
	s2 =	sadd.s32 s3, s2  }
0x8d: {  	s2 =	sadd.s32 s2, s14  }
0x8e: {  	[smem:$0x3FC7] =	sst s2  }
0x8f: {  	_ = 	snop  }
0x90: {  	s2 =	sld [smem:$0x3FD0];
	_ =	sdelay $0x2  }
0x91: {  	s15 =	simm.s32 $0xA;
	s4 =	simm.s32 $0x10  }
0x92: {  	[smem:s4], [sflag:s15] =	dma.local [hbm:s2], $0x1  }
0x93: {  	_ =	swait.eq [sflag:s15], $0x1  }
0x94: {  	s16 =	sld [smem:$0x11];
	[sflag:s15] =	ssyncset.done $0x0  }
0x95: {  	s17 =	sld [smem:$0x12];
	[sflag:s15] =	ssyncadd.s32 $0xFFFFFFFF  }
0x96: {  	s18 =	sld [smem:$0x13];
	(tm) =	ssettm $0x1  }
0x97: {  	s5 =	sld [smem:$0x3FFB];
	_ =	sdelay $0x3  }
0x98: {  	_ =	strace s5  }
0x99: {  	s5 =	sld [smem:$0x3FFC];
	_ =	sdelay $0x3  }
0x9a: {  	_ =	strace s5  }
0x9b: {  	s5 =	sld [smem:$0x3FFD];
	_ =	sdelay $0x3  }
0x9c: {  	_ =	strace s5  }
0x9d: {  	_ =	strace $0x8FFFFFFF  }
0x9e: {  	s19 =	sld [smem:$0x3FDB];
	_ =	sdelay $0x1  }
0x9f: {  	s6 =	simm.s32 $_scs_section_size  }
0xa0: {  	s7 =	simm.s32 $_size__tile_overlayer_lowered;
	s8 =	simm.s32 $_tile_overlayer_lowered  }
0xa1: {  	s22 =	simm.s32 $0x1BFF;
	s21 =	sshll.u32 s8, $0x1;
	s5 =	sadd.s32 s6, s19  }
0xa2: {  	s9 =	simm.s32 $0x0;
	s20 =	sshll.u32 s7, $0x1;
	s7 =	sadd.s32 s21, s5  }
0xa3: {  	[timem:s9], [sflag:s22] =	dma.local [hbm:s7], s20  }
0xa4: {  	_ =	swait.ge [sflag:s22], s20  }
0xa5: {  	s6 =	ssub.s32 $0x0, s20;
	[sflag:s22] =	ssyncset.done $0x0  }
0xa6: {  	[sflag:s22] =	ssyncadd.s32 s6;
	_ =	sdelay $0x1  }
0xa7: {  	s23 =	simm.s32 $0x1B8B  }
0xa8: {  	_ =	swait.ge [sflag:s23], $0x1  }
0xa9: {  	[sflag:s23] =	ssyncset.done $0x0  }
0xaa: {  	s25 =	simm.s32 $0x1B8E;
	s24 =	sld [smem:$0x3FFE];
	[sflag:s23] =	ssyncadd.s32 $0xFFFFFFFF  }
0xab: {  	s26 =	simm.s32 $execute0_lowered;
	[smem:$0x3FD2] =	sst s25  }
0xac: {  	s7 =	sshll.u32 s26, $0x1;
	_ =	strace $0x80000046;
	[dreg:$0x1] =	wrdreg $0xFFFFFFFF  }
0xad: {  	s28 =	simm.s32 $_size_execute0_lowered;
	s5 =	sadd.s32 s5, s7;
	[dreg:$0x0] =	wrdreg $0x0  }
0xae: {  	s7 =	sshll.u32 s28, $0x1;
	[dreg:$0x2] =	wrdreg s5  }
0xaf: {  	[dreg:$0x3] =	wrdreg s7  }
0xb0: {  	[dreg:$0x4] =	wrdreg $0xC0  }
0xb1: {  	_ =	task [dreg:s9], $0x5FFFF  }
0xb2: {  	[dreg:$0x1] =	wrdreg $0xFFFFFFFF  }
0xb3: {  	[dreg:$0x0] =	wrdreg $0x60  }
0xb4: {  	[dreg:$0x2] =	wrdreg s16  }
0xb5: {  	[dreg:$0x3] =	wrdreg s24  }
0xb6: {  	[dreg:$0x4] =	wrdreg s17  }
0xb7: {  	[dreg:$0x5] =	wrdreg s18  }
0xb8: {  	[dreg:$0x6] =	wrdreg $0x9  }
0xb9: {  	_ =	task.clear_ibuf [dreg:s9], $0x7FFFF;
	_ =	strace $0x90000046  }
0xba: {  	s29 =	simm.s32 $0x9;
	_ =	strace $0x80000048  }
0xbb: {  	_ =	swait.ge [sflag:s29], $0x1  }
0xbc: {  	[sflag:s29] =	ssyncadd.s32 $0xFFFFFFFF  }
0xbd: {  	_ =	strace $0x90000048  }
0xbe: {  	_ =	sfence  }
0xbf: {  	s30 =	sld [smem:$0x0];
	_ =	sdelay $0x2  }
0xc0: {  	s31 =	sshll.u32 s1, $0xD;
	s1 =	sshrl.u32 s1, $0x2  }
0xc1: {  	s3 =	sand.u32 $0x4000, s31;
	s1 =	sadd.s32 s1, s30  }
0xc2: {  	s0 =	sor.u32 s3, s0;
	s1 =	sshll.u32 s1, $0x11  }
0xc3: {  	s0 =	sor.u32 s1, s0  }
0xc4: {  	s0 =	sadd.s32 $0x8F2B, s0  }
0xc5: {  	[sflag:s0] =	ssyncadd.remote.s32 $0x1  }
0xc6: {  	_ =	sfence.sel $0xFFFF  }
0xc7: {  	[dreg:$0x0] =	wrdreg $0xFFFFFFFF;
	(pc) =	sbr.abs _section_cstart, $3  }
0xc8: {  	[dreg:$0x1] =	wrdreg $0xFFFFFFFF  }
0xc9: {  	_ =	task.clear_ibuf [dreg:s9], $0x2FFFF;
	_ =	strace $0x9FFFFFFF  }
0xca: {  	(tm) =	ssettm $0x7FFFFFFF  }
0xcb: {  	_ =	shalt  }
tec
execute0_lowered:
.L_overlay_start_1:
0x0: {  	(tag) =	ssettag $0x1  }
0x1: {  	v9 =	vlaneseq.u32  }
0x2: {  	v46 =	vmul.u32 $0x6, v9  }
0x3: {  	v1 =	vimm.s32 $0x0;
	v2 =	vimm.s32 $0x1  }
0x4: {  	v8 =	vimm.s32 $0x2;
	v9 =	vmul.u32 $0x1FB0, v9;
	v3 =	vor.u32 $0x1, v46  }
0x5: {  	v4 =	vadd.s32 $0x2, v46;
	v5 =	vadd.s32 $0x3, v46;
	v6 =	vadd.s32 $0x4, v46  }
0x6: {  	v7 =	vadd.s32 $0x5, v46;
	v10 =	vadd.s32 $0x61, v46;
	v11 =	vadd.s32 $0x62, v46  }
0x7: {  	v12 =	vadd.s32 $0x63, v46;
	v13 =	vadd.s32 $0x64, v46;
	v14 =	vadd.s32 $0x65, v46  }
0x8: {  	s8 =	rddreg [dreg:$0x1];
	v15 =	vadd.s32 $0xA90, v9;
	v16 =	vadd.s32 $0x1520, v9;
	v17 =	vadd.s32 $0xC1, v46  }
0x9: {  	s2 =	rddreg [dreg:$0x2];
	v18 =	vadd.s32 $0xC2, v46;
	v19 =	vadd.s32 $0xC3, v46;
	v20 =	vadd.s32 $0xC4, v46  }
0xa: {  	s1 =	srdreg.scid;
	s4 =	rddreg [dreg:$0x3];
	v21 =	vadd.s32 $0xC5, v46;
	v22 =	vadd.s32 $0x121, v46;
	v23 =	vadd.s32 $0x122, v46  }
0xb: {  	s0 =	stileid.u32;
	s3 =	rddreg [dreg:$0x4];
	v24 =	vadd.s32 $0x123, v46;
	v25 =	vadd.s32 $0x124, v46;
	v26 =	vadd.s32 $0x125, v46  }
0xc: {  	s5 =	simm.s32 $0x0;
	s6 =	sand.u32 $0x1, s1;
	s30 =	sshll.u32 s0, $0x1;
	v27 =	vor.u32 $0x181, v46;
	v28 =	vadd.s32 $0x182, v46;
	v29 =	vadd.s32 $0x183, v46  }
0xd: {  	s9 =	simm.s32 $0x1;
	s11 =	simm.s32 $0x1300;
	s10 =	sor.u32 s6, s30;
	v30 =	vadd.s32 $0x184, v46;
	v31 =	vadd.s32 $0x185, v46;
	v32 =	vadd.s32 $0x1E1, v46  }
0xe: {  	s12 =	simm.s32 $0x0;
	[smem:$0x7FF] =	sst s5;
	s7 =	smul.u32 $0xFD8, s10;
	v33 =	vadd.s32 $0x1E2, v46;
	v34 =	vadd.s32 $0x1E3, v46;
	v35 =	vadd.s32 $0x1E4, v46  }
0xf: {  	s1 =	rddreg [dreg:$0x0];
	s6 =	ssub.s32 $0x2, s6;
	_ =	strace $0x80000047;
	v36 =	vadd.s32 $0x1E5, v46;
	v37 =	vadd.s32 $0x241, v46;
	v38 =	vadd.s32 $0x242, v46  }
0x10: {  	s31 =	sshrl.u32 s6, $0x1;
	v39 =	vadd.s32 $0x243, v46;
	v40 =	vadd.s32 $0x244, v46;
	p0 =	sne.s32 s10, $0x0;
	v0 =	vmov s7;
	s7 =	sshrl.u32 s7, $0x3  }
0x11: {  	v41 =	vadd.s32 $0x245, v46;
	v42 =	vadd.s32 $0x2A1, v46;
	v43 =	vadd.s32 $0x2A2, v46;
	s10 =	simm.s32 $0x300;
	s7 =	sadd.s32 s7, s8;
	s8 =	ssub.s32 s6, s31  }
0x12: {  	v44 =	vadd.s32 $0x2A3, v46;
	v45 =	vadd.s32 $0x2A4, v46;
	v46 =	vadd.s32 $0x2A5, v46;
	s6 =	sadd.s32 $0xA00, s7;
	s7 =	sadd.s32 $0x4A00, s7;
	s8 =	smax.u32 s8, $0x1  }
.LBB2_1:
0x13: {  	[tilespmem:s5], [sflag:$0x1] =	stream.linear.gather [hbm4b:s1+s5], $0x300, $0x38;
	[tilespmem:$0x2400] =	vst v63  }
0x14: {  	_ =	swait.ge [sflag:s9], $0x300  }
0x15: {  	[sflag:s9] =	ssyncset.done $0x0  }
0x16: {  	s13 =	simm.s32 $0x40;
	s14 =	simm.s32 $0x0;
	[sflag:s9] =	ssyncadd.s32 $0xFFFFFD00  }
.LBB2_2:
0x17: {  	p1 =	sne.s32 s13, $0x3F40;
	[tilespmem:s14+$0x300] =	vst v1;
	s15 =	smov.u32 s13;
	s13 =	sadd.s32 $0x40, s13  }
.Ltmp0:
0x18: {  	[tilespmem:s14+$0x1300] =	vst v2;
	(pc) =	sbr.rel @p1 .LBB2_2-.Ltmp0, $2  }
0x19: {  	_ =	sdelay $0x2  }
0x1a: {  	s14 =	sshra.s32 s15, $0x2  }
0x1b: {  	_ =	sdelay $0x1  }
0x1c: {  	[tilespmem:s14+$0x300] =	vst v1  }
0x1d: {  	[tilespmem:s14+$0x1300] =	vst v2  }
0x1e: {  	v47 =	vld.idx.msk [tilespmem:v6+s5+$0x0], $0xffff  }
0x1f: {  	v48 =	vld.idx.msk [tilespmem:v7+s5+$0x0], $0xffff;
	_ =	sdelay $0x4  }
0x20: {  	v47 =	vmul.f32 $5.200000000e+01, v47;
	v48 =	vmul.f32 $5.200000000e+01, v48;
	_ =	sdelay $0x1  }
0x21: {  	v49 =	vmul.f32 v48, v47;
	v50 =	vmin.f32 v47, $1.039999960e+00  }
0x22: {  	v51 =	vmin.f32 v48, $1.559999940e+00;
	v52 =	vmin.f32 v47, $2.599999900e+00;
	v53 =	vmin.f32 v48, $3.119999890e+00  }
0x23: {  	v47 =	vmin.f32 v47, $6.239999770e+00;
	v50 =	vmul.f32 v51, v50;
	v56 =	vadd.f32 $1.622400050e+00, v49  }
0x24: {  	v60 =	vld.idx.msk [tilespmem:v4+s5+$0x0], $0xffff;
	v48 =	vmin.f32 v48, $5.199999810e+00;
	v52 =	vmul.f32 v53, v52;
	v57 =	vadd.f32 $8.112000460e+00, v49  }
0x25: {  	v47 =	vmul.f32 v48, v47;
	v58 =	vadd.f32 $3.244800190e+01, v49;
	v51 =	vsub.f32 v56, v50  }
0x26: {  	v61 =	vld.idx.msk [tilespmem:v5+s5+$0x0], $0xffff;
	v59 =	vsub.f32 v57, v52  }
0x27: {  	v48 =	vsub.f32 v58, v47;
	(erf) = vrcp.f32 v51  }
0x28: {  	(erf) = vrcp.f32 v59  }
0x29: {  	(erf) = vrcp.f32 v48;
	v48 =	vmul.f32 $5.200000000e+01, v60;
	_ =	sdelay $0x1  }
0x2a: {  	v49 =	vmul.f32 $5.200000000e+01, v61;
	v48 =	vtrunc.f32 v48  }
0x2b: {  	v48 =	vcvt.f32.s32 v48  }
0x2c: {  	v49 =	vtrunc.f32 v49;
	v57 =	vld.idx.msk [tilespmem:v3+s5+$0x0], $0xffff  }
0x2d: {  	v49 =	vcvt.f32.s32 v49;
	v48 =	vmul.u32 $0x34, v48;
	_ =	sdelay $0x1  }
0x2e: {  	v51 =	vpop (erf);
	v48 =	vadd.s32 v49, v48  }
0x2f: {  	v62 =	vpop (erf);
	v50 =	vmul.f32 v51, v50;
	v48 =	vsub.s32 v48, v0  }
0x30: {  	vm0 =	vgt.f32 v57, $-1.000000000e+00;
	v51 =	vmul.f32 v62, v52;
	v63 =	vpop (erf);
	v48 =	vadd.s32 v9, v48  }
0x31: {  	v47 =	vmul.f32 v63, v47;
	vm5 =	vgt.f32 v50, $5.000000000e-01;
	vm12 =	vlt.u32 v48, $0xFD8  }
0x32: {  	vm14 =	vgt.s32 v48, $0x0;
	v62 =	vadd.s32 $0xA90, v48;
	v56 =	vmax.f32 v50, v51  }
0x33: {  	v61 =	vnsel vm14, $0x0, v48;
	vm15 =	vgt.f32 v51, $5.000000000e-01;
	v52 =	vmax.f32 v56, v47  }
0x34: {  	vm8 =	vlt.u32 v62, $0xFD8;
	vm9 =	vgt.s32 v62, $0x0;
	vm1 =	veq.f32 v51, v52  }
0x35: {  	v63 =	vnsel vm9, $0x0, v62;
	vm2 =	veq.f32 v50, v52;
	v54 =	vsel vm1, $0x1, v8  }
0x36: {  	vm10 =	vgt.f32 v47, $5.000000000e-01;
	vm3 =	vne.f32 v50, v52;
	v54 =	vsel vm2, $0x0, v54  }
0x37: {  	vm1 =	vmand vm3, vm1;
	vm2 =	vmor vm5, vm2;
	v58 =	vmul.u32 $0xA90, v54  }
0x38: {  	v55 =	vmin.u32 v61, $0xFDF;
	vm1 =	vmor vm15, vm1;
	vm2 =	vmand vm12, vm2  }
0x39: {  	vm1 =	vmand vm8, vm1;
	vm11 =	veq.s32 v54, $0x2;
	v49 =	vadd.s32 v58, v48  }
0x3a: {  	vm2 =	vmand vm0, vm2;
	vm4 =	vgt.s32 v49, $0x0;
	vm13 =	vlt.u32 v49, $0xFD8  }
0x3b: {  	v48 =	vadd.s32 $0x1520, v48;
	v59 =	vnsel vm4, $0x0, v49;
	vm5 =	vmand vm0, vm13  }
0x3c: {  	vm3 =	vmor vm10, vm11;
	vm12 =	vlt.u32 v48, $0xFD8;
	v60 =	vmin.u32 v59, $0xFDF  }
0x3d: {  	vm1 =	vmand vm0, vm1;
	vm3 =	vmand vm12, vm3;
	vm13 =	vgt.s32 v48, $0x0  }
0x3e: {  	v56 =	vmin.u32 v63, $0xFDF;
	vm0 =	vmand vm0, vm3;
	v48 =	vnsel vm13, $0x0, v48  }
0x3f: {  	[tilespmem:$0x2300] =	vst v52;
	v48 =	vmin.u32 v48, $0xFDF  }
0x40: {  	[tilespmem:$0x2380] =	vst v54  }
0x41: {  	[tilespmem:v60+s10+$0x0] =	vst.idx.msk vm5, v2  }
0x42: {  	[tilespmem:v55+s11+$0x0] =	vst.idx.msk vm2, v1  }
0x43: {  	[tilespmem:v56+s11+$0x0] =	vst.idx.msk vm1, v1  }
0x44: {  	[tilespmem:v48+s11+$0x0] =	vst.idx.msk vm0, v1  }
0x45: {  	v47 =	vld.idx.msk [tilespmem:v13+s5+$0x0], $0xffff  }
0x46: {  	v48 =	vld.idx.msk [tilespmem:v14+s5+$0x0], $0xffff;
	_ =	sdelay $0x4  }
0x47: {  	v47 =	vmul.f32 $5.200000000e+01, v47;
	v48 =	vmul.f32 $5.200000000e+01, v48;
	_ =	sdelay $0x1  }
0x48: {  	v57 =	vmul.f32 v48, v47;
	v58 =	vmin.f32 v47, $1.039999960e+00  }
0x49: {  	v59 =	vmin.f32 v48, $1.559999940e+00;
	v60 =	vmin.f32 v47, $2.599999900e+00;
	v61 =	vmin.f32 v48, $3.119999890e+00  }
0x4a: {  	v47 =	vmin.f32 v47, $6.239999770e+00;
	v50 =	vmul.f32 v59, v58;
	v62 =	vadd.f32 $1.622400050e+00, v57  }
0x4b: {  	v48 =	vmin.f32 v48, $5.199999810e+00;
	v52 =	vmul.f32 v61, v60;
	v58 =	vld.idx.msk [tilespmem:v11+s5+$0x0], $0xffff;
	v63 =	vadd.f32 $8.112000460e+00, v57  }
0x4c: {  	v47 =	vmul.f32 v48, v47;
	v56 =	vadd.f32 $3.244800190e+01, v57;
	v51 =	vsub.f32 v62, v50  }
0x4d: {  	v59 =	vld.idx.msk [tilespmem:v12+s5+$0x0], $0xffff;
	v57 =	vsub.f32 v63, v52  }
0x4e: {  	v48 =	vsub.f32 v56, v47;
	(erf) = vrcp.f32 v51  }
0x4f: {  	(erf) = vrcp.f32 v57  }
0x50: {  	(erf) = vrcp.f32 v48;
	v48 =	vmul.f32 $5.200000000e+01, v58;
	_ =	sdelay $0x1  }
0x51: {  	v49 =	vmul.f32 $5.200000000e+01, v59;
	v48 =	vtrunc.f32 v48  }
0x52: {  	v48 =	vcvt.f32.s32 v48  }
0x53: {  	v63 =	vld.idx.msk [tilespmem:v10+s5+$0x0], $0xffff;
	v49 =	vtrunc.f32 v49  }
0x54: {  	v49 =	vcvt.f32.s32 v49;
	v48 =	vmul.u32 $0x34, v48;
	_ =	sdelay $0x1  }
0x55: {  	v51 =	vpop (erf);
	v48 =	vadd.s32 v49, v48  }
0x56: {  	v60 =	vpop (erf);
	v50 =	vmul.f32 v51, v50;
	v48 =	vsub.s32 v48, v0  }
0x57: {  	vm0 =	vgt.f32 v63, $-1.000000000e+00;
	v51 =	vmul.f32 v60, v52;
	v61 =	vpop (erf);
	v55 =	vadd.s32 v9, v48  }
0x58: {  	v47 =	vmul.f32 v61, v47;
	vm9 =	vgt.f32 v50, $5.000000000e-01;
	vm12 =	vgt.s32 v55, $0x0  }
0x59: {  	vm10 =	vlt.u32 v55, $0xFD8;
	v62 =	vmax.f32 v50, v51;
	v61 =	vnsel vm12, $0x0, v55  }
0x5a: {  	vm13 =	vgt.f32 v51, $5.000000000e-01;
	v52 =	vmax.f32 v62, v47;
	v62 =	vadd.s32 v15, v48  }
0x5b: {  	v48 =	vadd.s32 v16, v48;
	vm1 =	veq.f32 v51, v52;
	vm14 =	veq.f32 v50, v52  }
0x5c: {  	vm15 =	vne.f32 v50, v52;
	v57 =	vsel vm1, $0x1, v8;
	vm2 =	vmor vm9, vm14  }
0x5d: {  	vm1 =	vmand vm15, vm1;
	vm15 =	vgt.s32 v62, $0x0;
	v54 =	vsel vm14, $0x0, v57  }
0x5e: {  	vm2 =	vmand vm10, vm2;
	vm1 =	vmor vm13, vm1;
	v58 =	vmul.u32 $0xA90, v54  }
0x5f: {  	vm14 =	vlt.u32 v62, $0xFD8;
	v63 =	vnsel vm15, $0x0, v62;
	vm10 =	vlt.u32 v48, $0xFD8  }
0x60: {  	vm2 =	vmand vm0, vm2;
	vm1 =	vmand vm14, vm1;
	v49 =	vadd.s32 v58, v55  }
0x61: {  	vm9 =	veq.s32 v54, $0x2;
	vm8 =	vgt.s32 v49, $0x0;
	vm11 =	vlt.u32 v49, $0xFD8  }
0x62: {  	v59 =	vnsel vm8, $0x0, v49;
	vm5 =	vmand vm0, vm11;
	vm8 =	vgt.f32 v47, $5.000000000e-01  }
0x63: {  	vm1 =	vmand vm0, vm1;
	v60 =	vmin.u32 v59, $0xFDF;
	vm3 =	vmor vm8, vm9  }
0x64: {  	v55 =	vmin.u32 v61, $0xFDF;
	vm11 =	vgt.s32 v48, $0x0;
	vm3 =	vmand vm10, vm3  }
0x65: {  	v56 =	vmin.u32 v63, $0xFDF;
	v48 =	vnsel vm11, $0x0, v48;
	vm0 =	vmand vm0, vm3  }
0x66: {  	[tilespmem:$0x2310] =	vst v52;
	v48 =	vmin.u32 v48, $0xFDF  }
0x67: {  	[tilespmem:$0x2390] =	vst v54  }
0x68: {  	[tilespmem:v60+s10+$0x0] =	vst.idx.msk vm5, v2  }
0x69: {  	[tilespmem:v55+s11+$0x0] =	vst.idx.msk vm2, v1  }
0x6a: {  	[tilespmem:v56+s11+$0x0] =	vst.idx.msk vm1, v1  }
0x6b: {  	[tilespmem:v48+s11+$0x0] =	vst.idx.msk vm0, v1  }
0x6c: {  	v47 =	vld.idx.msk [tilespmem:v20+s5+$0x0], $0xffff  }
0x6d: {  	v48 =	vld.idx.msk [tilespmem:v21+s5+$0x0], $0xffff;
	_ =	sdelay $0x4  }
0x6e: {  	v47 =	vmul.f32 $5.200000000e+01, v47;
	v48 =	vmul.f32 $5.200000000e+01, v48;
	_ =	sdelay $0x1  }
0x6f: {  	v57 =	vmul.f32 v48, v47;
	v58 =	vmin.f32 v47, $1.039999960e+00;
	v59 =	vmin.f32 v48, $1.559999940e+00  }
0x70: {  	v60 =	vmin.f32 v47, $2.599999900e+00;
	v61 =	vmin.f32 v48, $3.119999890e+00;
	v47 =	vmin.f32 v47, $6.239999770e+00  }
0x71: {  	v48 =	vmin.f32 v48, $5.199999810e+00;
	v50 =	vmul.f32 v59, v58;
	v62 =	vadd.f32 $1.622400050e+00, v57  }
0x72: {  	v52 =	vmul.f32 v61, v60;
	v63 =	vadd.f32 $8.112000460e+00, v57;
	v55 =	vadd.f32 $3.244800190e+01, v57;
	v57 =	vld.idx.msk [tilespmem:v18+s5+$0x0], $0xffff  }
0x73: {  	v47 =	vmul.f32 v48, v47;
	v51 =	vsub.f32 v62, v50  }
0x74: {  	v58 =	vld.idx.msk [tilespmem:v19+s5+$0x0], $0xffff;
	v56 =	vsub.f32 v63, v52  }
0x75: {  	v48 =	vsub.f32 v55, v47;
	(erf) = vrcp.f32 v51  }
0x76: {  	(erf) = vrcp.f32 v56  }
0x77: {  	(erf) = vrcp.f32 v48;
	v48 =	vmul.f32 $5.200000000e+01, v57;
	_ =	sdelay $0x1  }
0x78: {  	v49 =	vmul.f32 $5.200000000e+01, v58;
	v48 =	vtrunc.f32 v48  }
0x79: {  	v62 =	vld.idx.msk [tilespmem:v17+s5+$0x0], $0xffff;
	v48 =	vcvt.f32.s32 v48  }
0x7a: {  	v49 =	vtrunc.f32 v49  }
0x7b: {  	v49 =	vcvt.f32.s32 v49;
	v48 =	vmul.u32 $0x34, v48;
	_ =	sdelay $0x1  }
0x7c: {  	v51 =	vpop (erf);
	v48 =	vadd.s32 v49, v48  }
0x7d: {  	vm0 =	vgt.f32 v62, $-1.000000000e+00;
	v59 =	vpop (erf);
	v48 =	vsub.s32 v48, v0  }
0x7e: {  	v50 =	vmul.f32 v51, v50;
	v51 =	vmul.f32 v59, v52;
	v60 =	vpop (erf);
	v58 =	vadd.s32 v9, v48  }
0x7f: {  	v62 =	vadd.s32 v15, v48;
	v48 =	vadd.s32 v16, v48;
	v47 =	vmul.f32 v60, v47  }
0x80: {  	vm15 =	vgt.f32 v50, $5.000000000e-01;
	vm8 =	vlt.u32 v58, $0xFD8;
	v61 =	vmax.f32 v50, v51  }
0x81: {  	vm10 =	vgt.s32 v58, $0x0;
	vm11 =	vgt.f32 v51, $5.000000000e-01;
	v52 =	vmax.f32 v61, v47  }
0x82: {  	v61 =	vnsel vm10, $0x0, v58;
	vm1 =	veq.f32 v51, v52;
	vm12 =	veq.f32 v50, v52  }
0x83: {  	vm13 =	vne.f32 v50, v52;
	v55 =	vmin.u32 v61, $0xFDF;
	v63 =	vsel vm1, $0x1, v8  }
0x84: {  	vm2 =	vmor vm15, vm12;
	vm1 =	vmand vm13, vm1;
	v54 =	vsel vm12, $0x0, v63  }
0x85: {  	vm13 =	vgt.s32 v62, $0x0;
	vm2 =	vmand vm8, vm2;
	v57 =	vmul.u32 $0xA90, v54  }
0x86: {  	vm1 =	vmor vm11, vm1;
	vm12 =	vlt.u32 v62, $0xFD8;
	v63 =	vnsel vm13, $0x0, v62  }
0x87: {  	vm8 =	vlt.u32 v48, $0xFD8;
	vm2 =	vmand vm0, vm2;
	v49 =	vadd.s32 v57, v58  }
0x88: {  	vm15 =	veq.s32 v54, $0x2;
	vm14 =	vgt.s32 v49, $0x0;
	vm9 =	vlt.u32 v49, $0xFD8  }
0x89: {  	v59 =	vnsel vm14, $0x0, v49;
	vm5 =	vmand vm0, vm9;
	vm14 =	vgt.f32 v47, $5.000000000e-01  }
0x8a: {  	vm1 =	vmand vm12, vm1;
	v60 =	vmin.u32 v59, $0xFDF;
	vm3 =	vmor vm14, vm15  }
0x8b: {  	vm1 =	vmand vm0, vm1;
	vm9 =	vgt.s32 v48, $0x0;
	vm3 =	vmand vm8, vm3  }
0x8c: {  	v56 =	vmin.u32 v63, $0xFDF;
	v48 =	vnsel vm9, $0x0, v48;
	vm0 =	vmand vm0, vm3  }
0x8d: {  	[tilespmem:$0x2320] =	vst v52;
	v48 =	vmin.u32 v48, $0xFDF  }
0x8e: {  	[tilespmem:$0x23A0] =	vst v54  }
0x8f: {  	[tilespmem:v60+s10+$0x0] =	vst.idx.msk vm5, v2  }
0x90: {  	[tilespmem:v55+s11+$0x0] =	vst.idx.msk vm2, v1  }
0x91: {  	[tilespmem:v56+s11+$0x0] =	vst.idx.msk vm1, v1  }
0x92: {  	[tilespmem:v48+s11+$0x0] =	vst.idx.msk vm0, v1  }
0x93: {  	v47 =	vld.idx.msk [tilespmem:v25+s5+$0x0], $0xffff  }
0x94: {  	v48 =	vld.idx.msk [tilespmem:v26+s5+$0x0], $0xffff;
	_ =	sdelay $0x4  }
0x95: {  	v47 =	vmul.f32 $5.200000000e+01, v47;
	v48 =	vmul.f32 $5.200000000e+01, v48;
	_ =	sdelay $0x1  }
0x96: {  	v57 =	vmul.f32 v48, v47;
	v58 =	vmin.f32 v47, $1.039999960e+00;
	v59 =	vmin.f32 v48, $1.559999940e+00  }
0x97: {  	v60 =	vmin.f32 v47, $2.599999900e+00;
	v61 =	vmin.f32 v48, $3.119999890e+00;
	v47 =	vmin.f32 v47, $6.239999770e+00  }
0x98: {  	v48 =	vmin.f32 v48, $5.199999810e+00;
	v50 =	vmul.f32 v59, v58;
	v62 =	vadd.f32 $1.622400050e+00, v57  }
0x99: {  	v52 =	vmul.f32 v61, v60;
	v63 =	vadd.f32 $8.112000460e+00, v57;
	v55 =	vadd.f32 $3.244800190e+01, v57;
	v57 =	vld.idx.msk [tilespmem:v23+s5+$0x0], $0xffff  }
0x9a: {  	v47 =	vmul.f32 v48, v47;
	v51 =	vsub.f32 v62, v50  }
0x9b: {  	v58 =	vld.idx.msk [tilespmem:v24+s5+$0x0], $0xffff;
	v56 =	vsub.f32 v63, v52  }
0x9c: {  	v48 =	vsub.f32 v55, v47;
	(erf) = vrcp.f32 v51  }
0x9d: {  	(erf) = vrcp.f32 v56  }
0x9e: {  	(erf) = vrcp.f32 v48;
	v48 =	vmul.f32 $5.200000000e+01, v57;
	_ =	sdelay $0x1  }
0x9f: {  	v49 =	vmul.f32 $5.200000000e+01, v58;
	v48 =	vtrunc.f32 v48  }
0xa0: {  	v62 =	vld.idx.msk [tilespmem:v22+s5+$0x0], $0xffff;
	v48 =	vcvt.f32.s32 v48  }
0xa1: {  	v49 =	vtrunc.f32 v49  }
0xa2: {  	v49 =	vcvt.f32.s32 v49;
	v48 =	vmul.u32 $0x34, v48;
	_ =	sdelay $0x1  }
0xa3: {  	v51 =	vpop (erf);
	v48 =	vadd.s32 v49, v48  }
0xa4: {  	vm0 =	vgt.f32 v62, $-1.000000000e+00;
	v59 =	vpop (erf);
	v48 =	vsub.s32 v48, v0  }
0xa5: {  	v50 =	vmul.f32 v51, v50;
	v51 =	vmul.f32 v59, v52;
	v60 =	vpop (erf);
	v58 =	vadd.s32 v9, v48  }
0xa6: {  	v62 =	vadd.s32 v15, v48;
	v48 =	vadd.s32 v16, v48;
	v47 =	vmul.f32 v60, v47  }
0xa7: {  	vm13 =	vgt.f32 v50, $5.000000000e-01;
	vm14 =	vlt.u32 v58, $0xFD8;
	v61 =	vmax.f32 v50, v51  }
0xa8: {  	vm8 =	vgt.s32 v58, $0x0;
	vm9 =	vgt.f32 v51, $5.000000000e-01;
	v52 =	vmax.f32 v61, v47  }
0xa9: {  	v61 =	vnsel vm8, $0x0, v58;
	vm1 =	veq.f32 v51, v52;
	vm10 =	veq.f32 v50, v52  }
0xaa: {  	vm11 =	vne.f32 v50, v52;
	v55 =	vmin.u32 v61, $0xFDF;
	v63 =	vsel vm1, $0x1, v8  }
0xab: {  	vm2 =	vmor vm13, vm10;
	vm1 =	vmand vm11, vm1;
	v54 =	vsel vm10, $0x0, v63  }
0xac: {  	vm11 =	vgt.s32 v62, $0x0;
	vm2 =	vmand vm14, vm2;
	v57 =	vmul.u32 $0xA90, v54  }
0xad: {  	vm1 =	vmor vm9, vm1;
	vm10 =	vlt.u32 v62, $0xFD8;
	v63 =	vnsel vm11, $0x0, v62  }
0xae: {  	vm14 =	vlt.u32 v48, $0xFD8;
	vm2 =	vmand vm0, vm2;
	v49 =	vadd.s32 v57, v58  }
0xaf: {  	vm13 =	veq.s32 v54, $0x2;
	vm12 =	vgt.s32 v49, $0x0;
	vm15 =	vlt.u32 v49, $0xFD8  }
0xb0: {  	v59 =	vnsel vm12, $0x0, v49;
	vm5 =	vmand vm0, vm15;
	vm12 =	vgt.f32 v47, $5.000000000e-01  }
0xb1: {  	vm1 =	vmand vm10, vm1;
	v60 =	vmin.u32 v59, $0xFDF;
	vm3 =	vmor vm12, vm13  }
0xb2: {  	vm1 =	vmand vm0, vm1;
	vm15 =	vgt.s32 v48, $0x0;
	vm3 =	vmand vm14, vm3  }
0xb3: {  	v56 =	vmin.u32 v63, $0xFDF;
	v48 =	vnsel vm15, $0x0, v48;
	vm0 =	vmand vm0, vm3  }
0xb4: {  	[tilespmem:$0x2330] =	vst v52;
	v48 =	vmin.u32 v48, $0xFDF  }
0xb5: {  	[tilespmem:$0x23B0] =	vst v54  }
0xb6: {  	[tilespmem:v60+s10+$0x0] =	vst.idx.msk vm5, v2  }
0xb7: {  	[tilespmem:v55+s11+$0x0] =	vst.idx.msk vm2, v1  }
0xb8: {  	[tilespmem:v56+s11+$0x0] =	vst.idx.msk vm1, v1  }
0xb9: {  	[tilespmem:v48+s11+$0x0] =	vst.idx.msk vm0, v1  }
0xba: {  	v47 =	vld.idx.msk [tilespmem:v30+s5+$0x0], $0xffff  }
0xbb: {  	v48 =	vld.idx.msk [tilespmem:v31+s5+$0x0], $0xffff;
	_ =	sdelay $0x4  }
0xbc: {  	v47 =	vmul.f32 $5.200000000e+01, v47;
	v48 =	vmul.f32 $5.200000000e+01, v48;
	_ =	sdelay $0x1  }
0xbd: {  	v57 =	vmul.f32 v48, v47;
	v58 =	vmin.f32 v47, $1.039999960e+00;
	v59 =	vmin.f32 v48, $1.559999940e+00  }
0xbe: {  	v60 =	vmin.f32 v47, $2.599999900e+00;
	v61 =	vmin.f32 v48, $3.119999890e+00;
	v47 =	vmin.f32 v47, $6.239999770e+00  }
0xbf: {  	v48 =	vmin.f32 v48, $5.199999810e+00;
	v50 =	vmul.f32 v59, v58;
	v62 =	vadd.f32 $1.622400050e+00, v57  }
0xc0: {  	v52 =	vmul.f32 v61, v60;
	v63 =	vadd.f32 $8.112000460e+00, v57;
	v55 =	vadd.f32 $3.244800190e+01, v57;
	v57 =	vld.idx.msk [tilespmem:v28+s5+$0x0], $0xffff  }
0xc1: {  	v47 =	vmul.f32 v48, v47;
	v51 =	vsub.f32 v62, v50  }
0xc2: {  	v58 =	vld.idx.msk [tilespmem:v29+s5+$0x0], $0xffff;
	v56 =	vsub.f32 v63, v52  }
0xc3: {  	v48 =	vsub.f32 v55, v47;
	(erf) = vrcp.f32 v51  }
0xc4: {  	(erf) = vrcp.f32 v56  }
0xc5: {  	(erf) = vrcp.f32 v48;
	v48 =	vmul.f32 $5.200000000e+01, v57;
	_ =	sdelay $0x1  }
0xc6: {  	v49 =	vmul.f32 $5.200000000e+01, v58;
	v48 =	vtrunc.f32 v48  }
0xc7: {  	v62 =	vld.idx.msk [tilespmem:v27+s5+$0x0], $0xffff;
	v48 =	vcvt.f32.s32 v48  }
0xc8: {  	v49 =	vtrunc.f32 v49  }
0xc9: {  	v49 =	vcvt.f32.s32 v49;
	v48 =	vmul.u32 $0x34, v48;
	_ =	sdelay $0x1  }
0xca: {  	v51 =	vpop (erf);
	v48 =	vadd.s32 v49, v48  }
0xcb: {  	vm0 =	vgt.f32 v62, $-1.000000000e+00;
	v59 =	vpop (erf);
	v48 =	vsub.s32 v48, v0  }
0xcc: {  	v50 =	vmul.f32 v51, v50;
	v51 =	vmul.f32 v59, v52;
	v60 =	vpop (erf);
	v58 =	vadd.s32 v9, v48  }
0xcd: {  	v62 =	vadd.s32 v15, v48;
	v48 =	vadd.s32 v16, v48;
	v47 =	vmul.f32 v60, v47  }
0xce: {  	vm11 =	vgt.f32 v50, $5.000000000e-01;
	vm12 =	vlt.u32 v58, $0xFD8;
	v61 =	vmax.f32 v50, v51  }
0xcf: {  	vm14 =	vgt.s32 v58, $0x0;
	vm15 =	vgt.f32 v51, $5.000000000e-01;
	v52 =	vmax.f32 v61, v47  }
0xd0: {  	v61 =	vnsel vm14, $0x0, v58;
	vm1 =	veq.f32 v51, v52;
	vm8 =	veq.f32 v50, v52  }
0xd1: {  	vm9 =	vne.f32 v50, v52;
	v55 =	vmin.u32 v61, $0xFDF;
	v63 =	vsel vm1, $0x1, v8  }
0xd2: {  	vm2 =	vmor vm11, vm8;
	vm1 =	vmand vm9, vm1;
	v54 =	vsel vm8, $0x0, v63  }
0xd3: {  	vm9 =	vgt.s32 v62, $0x0;
	vm2 =	vmand vm12, vm2;
	v57 =	vmul.u32 $0xA90, v54  }
0xd4: {  	vm1 =	vmor vm15, vm1;
	vm8 =	vlt.u32 v62, $0xFD8;
	v63 =	vnsel vm9, $0x0, v62  }
0xd5: {  	vm12 =	vlt.u32 v48, $0xFD8;
	vm2 =	vmand vm0, vm2;
	v49 =	vadd.s32 v57, v58  }
0xd6: {  	vm11 =	veq.s32 v54, $0x2;
	vm10 =	vgt.s32 v49, $0x0;
	vm13 =	vlt.u32 v49, $0xFD8  }
0xd7: {  	v59 =	vnsel vm10, $0x0, v49;
	vm5 =	vmand vm0, vm13;
	vm10 =	vgt.f32 v47, $5.000000000e-01  }
0xd8: {  	vm1 =	vmand vm8, vm1;
	v60 =	vmin.u32 v59, $0xFDF;
	vm3 =	vmor vm10, vm11  }
0xd9: {  	vm1 =	vmand vm0, vm1;
	vm13 =	vgt.s32 v48, $0x0;
	vm3 =	vmand vm12, vm3  }
0xda: {  	v56 =	vmin.u32 v63, $0xFDF;
	v48 =	vnsel vm13, $0x0, v48;
	vm0 =	vmand vm0, vm3  }
0xdb: {  	[tilespmem:$0x2340] =	vst v52;
	v48 =	vmin.u32 v48, $0xFDF  }
0xdc: {  	[tilespmem:$0x23C0] =	vst v54  }
0xdd: {  	[tilespmem:v60+s10+$0x0] =	vst.idx.msk vm5, v2  }
0xde: {  	[tilespmem:v55+s11+$0x0] =	vst.idx.msk vm2, v1  }
0xdf: {  	[tilespmem:v56+s11+$0x0] =	vst.idx.msk vm1, v1  }
0xe0: {  	[tilespmem:v48+s11+$0x0] =	vst.idx.msk vm0, v1  }
0xe1: {  	v47 =	vld.idx.msk [tilespmem:v35+s5+$0x0], $0xffff  }
0xe2: {  	v48 =	vld.idx.msk [tilespmem:v36+s5+$0x0], $0xffff;
	_ =	sdelay $0x4  }
0xe3: {  	v47 =	vmul.f32 $5.200000000e+01, v47;
	v48 =	vmul.f32 $5.200000000e+01, v48;
	_ =	sdelay $0x1  }
0xe4: {  	v57 =	vmul.f32 v48, v47;
	v58 =	vmin.f32 v47, $1.039999960e+00;
	v59 =	vmin.f32 v48, $1.559999940e+00  }
0xe5: {  	v60 =	vmin.f32 v47, $2.599999900e+00;
	v61 =	vmin.f32 v48, $3.119999890e+00;
	v47 =	vmin.f32 v47, $6.239999770e+00  }
0xe6: {  	v48 =	vmin.f32 v48, $5.199999810e+00;
	v50 =	vmul.f32 v59, v58;
	v62 =	vadd.f32 $1.622400050e+00, v57  }
0xe7: {  	v52 =	vmul.f32 v61, v60;
	v63 =	vadd.f32 $8.112000460e+00, v57;
	v55 =	vadd.f32 $3.244800190e+01, v57;
	v57 =	vld.idx.msk [tilespmem:v33+s5+$0x0], $0xffff  }
0xe8: {  	v47 =	vmul.f32 v48, v47;
	v51 =	vsub.f32 v62, v50  }
0xe9: {  	v58 =	vld.idx.msk [tilespmem:v34+s5+$0x0], $0xffff;
	v56 =	vsub.f32 v63, v52  }
0xea: {  	v48 =	vsub.f32 v55, v47;
	(erf) = vrcp.f32 v51  }
0xeb: {  	(erf) = vrcp.f32 v56  }
0xec: {  	(erf) = vrcp.f32 v48;
	v48 =	vmul.f32 $5.200000000e+01, v57;
	_ =	sdelay $0x1  }
0xed: {  	v49 =	vmul.f32 $5.200000000e+01, v58;
	v48 =	vtrunc.f32 v48  }
0xee: {  	v62 =	vld.idx.msk [tilespmem:v32+s5+$0x0], $0xffff;
	v48 =	vcvt.f32.s32 v48  }
0xef: {  	v49 =	vtrunc.f32 v49  }
0xf0: {  	v49 =	vcvt.f32.s32 v49;
	v48 =	vmul.u32 $0x34, v48;
	_ =	sdelay $0x1  }
0xf1: {  	v51 =	vpop (erf);
	v48 =	vadd.s32 v49, v48  }
0xf2: {  	vm0 =	vgt.f32 v62, $-1.000000000e+00;
	v59 =	vpop (erf);
	v48 =	vsub.s32 v48, v0  }
0xf3: {  	v50 =	vmul.f32 v51, v50;
	v51 =	vmul.f32 v59, v52;
	v60 =	vpop (erf);
	v58 =	vadd.s32 v9, v48  }
0xf4: {  	v62 =	vadd.s32 v15, v48;
	v48 =	vadd.s32 v16, v48;
	v47 =	vmul.f32 v60, v47  }
0xf5: {  	vm9 =	vgt.f32 v50, $5.000000000e-01;
	vm10 =	vlt.u32 v58, $0xFD8;
	v61 =	vmax.f32 v50, v51  }
0xf6: {  	vm12 =	vgt.s32 v58, $0x0;
	vm13 =	vgt.f32 v51, $5.000000000e-01;
	v52 =	vmax.f32 v61, v47  }
0xf7: {  	v61 =	vnsel vm12, $0x0, v58;
	vm1 =	veq.f32 v51, v52;
	vm14 =	veq.f32 v50, v52  }
0xf8: {  	vm15 =	vne.f32 v50, v52;
	v55 =	vmin.u32 v61, $0xFDF;
	v63 =	vsel vm1, $0x1, v8  }
0xf9: {  	vm2 =	vmor vm9, vm14;
	vm1 =	vmand vm15, vm1;
	v54 =	vsel vm14, $0x0, v63  }
0xfa: {  	vm15 =	vgt.s32 v62, $0x0;
	vm2 =	vmand vm10, vm2;
	v57 =	vmul.u32 $0xA90, v54  }
0xfb: {  	vm1 =	vmor vm13, vm1;
	vm14 =	vlt.u32 v62, $0xFD8;
	v63 =	vnsel vm15, $0x0, v62  }
0xfc: {  	vm10 =	vlt.u32 v48, $0xFD8;
	vm2 =	vmand vm0, vm2;
	v49 =	vadd.s32 v57, v58  }
0xfd: {  	vm9 =	veq.s32 v54, $0x2;
	vm8 =	vgt.s32 v49, $0x0;
	vm11 =	vlt.u32 v49, $0xFD8  }
0xfe: {  	v59 =	vnsel vm8, $0x0, v49;
	vm5 =	vmand vm0, vm11;
	vm8 =	vgt.f32 v47, $5.000000000e-01  }
0xff: {  	vm1 =	vmand vm14, vm1;
	v60 =	vmin.u32 v59, $0xFDF;
	vm3 =	vmor vm8, vm9  }
0x100: {  	vm1 =	vmand vm0, vm1;
	vm11 =	vgt.s32 v48, $0x0;
	vm3 =	vmand vm10, vm3  }
0x101: {  	v56 =	vmin.u32 v63, $0xFDF;
	v48 =	vnsel vm11, $0x0, v48;
	vm0 =	vmand vm0, vm3  }
0x102: {  	[tilespmem:$0x2350] =	vst v52;
	v48 =	vmin.u32 v48, $0xFDF  }
0x103: {  	[tilespmem:$0x23D0] =	vst v54  }
0x104: {  	[tilespmem:v60+s10+$0x0] =	vst.idx.msk vm5, v2  }
0x105: {  	[tilespmem:v55+s11+$0x0] =	vst.idx.msk vm2, v1  }
0x106: {  	[tilespmem:v56+s11+$0x0] =	vst.idx.msk vm1, v1  }
0x107: {  	[tilespmem:v48+s11+$0x0] =	vst.idx.msk vm0, v1  }
0x108: {  	v47 =	vld.idx.msk [tilespmem:v40+s5+$0x0], $0xffff  }
0x109: {  	v48 =	vld.idx.msk [tilespmem:v41+s5+$0x0], $0xffff;
	_ =	sdelay $0x4  }
0x10a: {  	v47 =	vmul.f32 $5.200000000e+01, v47;
	v48 =	vmul.f32 $5.200000000e+01, v48;
	_ =	sdelay $0x1  }
0x10b: {  	v57 =	vmul.f32 v48, v47;
	v58 =	vmin.f32 v47, $1.039999960e+00;
	v59 =	vmin.f32 v48, $1.559999940e+00  }
0x10c: {  	v60 =	vmin.f32 v47, $2.599999900e+00;
	v61 =	vmin.f32 v48, $3.119999890e+00;
	v47 =	vmin.f32 v47, $6.239999770e+00  }
0x10d: {  	v48 =	vmin.f32 v48, $5.199999810e+00;
	v50 =	vmul.f32 v59, v58;
	v62 =	vadd.f32 $1.622400050e+00, v57  }
0x10e: {  	v52 =	vmul.f32 v61, v60;
	v63 =	vadd.f32 $8.112000460e+00, v57;
	v55 =	vadd.f32 $3.244800190e+01, v57;
	v57 =	vld.idx.msk [tilespmem:v38+s5+$0x0], $0xffff  }
0x10f: {  	v47 =	vmul.f32 v48, v47;
	v51 =	vsub.f32 v62, v50  }
0x110: {  	v58 =	vld.idx.msk [tilespmem:v39+s5+$0x0], $0xffff;
	v56 =	vsub.f32 v63, v52  }
0x111: {  	v48 =	vsub.f32 v55, v47;
	(erf) = vrcp.f32 v51  }
0x112: {  	(erf) = vrcp.f32 v56  }
0x113: {  	(erf) = vrcp.f32 v48;
	v48 =	vmul.f32 $5.200000000e+01, v57;
	_ =	sdelay $0x1  }
0x114: {  	v49 =	vmul.f32 $5.200000000e+01, v58;
	v48 =	vtrunc.f32 v48  }
0x115: {  	v62 =	vld.idx.msk [tilespmem:v37+s5+$0x0], $0xffff;
	v48 =	vcvt.f32.s32 v48  }
0x116: {  	v49 =	vtrunc.f32 v49  }
0x117: {  	v49 =	vcvt.f32.s32 v49;
	v48 =	vmul.u32 $0x34, v48;
	_ =	sdelay $0x1  }
0x118: {  	v51 =	vpop (erf);
	v48 =	vadd.s32 v49, v48  }
0x119: {  	vm0 =	vgt.f32 v62, $-1.000000000e+00;
	v59 =	vpop (erf);
	v48 =	vsub.s32 v48, v0  }
0x11a: {  	v50 =	vmul.f32 v51, v50;
	v51 =	vmul.f32 v59, v52;
	v60 =	vpop (erf);
	v58 =	vadd.s32 v9, v48  }
0x11b: {  	v62 =	vadd.s32 v15, v48;
	v48 =	vadd.s32 v16, v48;
	v47 =	vmul.f32 v60, v47  }
0x11c: {  	vm15 =	vgt.f32 v50, $5.000000000e-01;
	vm8 =	vlt.u32 v58, $0xFD8;
	v61 =	vmax.f32 v50, v51  }
0x11d: {  	vm10 =	vgt.s32 v58, $0x0;
	vm11 =	vgt.f32 v51, $5.000000000e-01;
	v52 =	vmax.f32 v61, v47  }
0x11e: {  	v61 =	vnsel vm10, $0x0, v58;
	vm1 =	veq.f32 v51, v52;
	vm12 =	veq.f32 v50, v52  }
0x11f: {  	vm13 =	vne.f32 v50, v52;
	v53 =	vmin.u32 v61, $0xFDF;
	v63 =	vsel vm1, $0x1, v8  }
0x120: {  	vm2 =	vmor vm15, vm12;
	vm1 =	vmand vm13, vm1;
	v54 =	vsel vm12, $0x0, v63  }
0x121: {  	vm13 =	vgt.s32 v62, $0x0;
	vm2 =	vmand vm8, vm2;
	v57 =	vmul.u32 $0xA90, v54  }
0x122: {  	vm1 =	vmor vm11, vm1;
	vm12 =	vlt.u32 v62, $0xFD8;
	v63 =	vnsel vm13, $0x0, v62  }
0x123: {  	vm8 =	vlt.u32 v48, $0xFD8;
	vm2 =	vmand vm0, vm2;
	v49 =	vadd.s32 v57, v58  }
0x124: {  	vm15 =	veq.s32 v54, $0x2;
	vm14 =	vgt.s32 v49, $0x0;
	vm9 =	vlt.u32 v49, $0xFD8  }
0x125: {  	v59 =	vnsel vm14, $0x0, v49;
	vm5 =	vmand vm0, vm9;
	vm14 =	vgt.f32 v47, $5.000000000e-01  }
0x126: {  	vm1 =	vmand vm12, vm1;
	v60 =	vmin.u32 v59, $0xFDF;
	vm3 =	vmor vm14, vm15  }
0x127: {  	vm1 =	vmand vm0, vm1;
	vm9 =	vgt.s32 v48, $0x0;
	vm3 =	vmand vm8, vm3  }
0x128: {  	v55 =	vmin.u32 v63, $0xFDF;
	v48 =	vnsel vm9, $0x0, v48;
	vm0 =	vmand vm0, vm3  }
0x129: {  	[tilespmem:$0x2360] =	vst v52;
	v48 =	vmin.u32 v48, $0xFDF  }
0x12a: {  	[tilespmem:$0x23E0] =	vst v54  }
0x12b: {  	[tilespmem:v60+s10+$0x0] =	vst.idx.msk vm5, v2  }
0x12c: {  	[tilespmem:v53+s11+$0x0] =	vst.idx.msk vm2, v1  }
0x12d: {  	[tilespmem:v55+s11+$0x0] =	vst.idx.msk vm1, v1  }
0x12e: {  	[tilespmem:v48+s11+$0x0] =	vst.idx.msk vm0, v1  }
0x12f: {  	v47 =	vld.idx.msk [tilespmem:v45+s5+$0x0], $0xffff  }
0x130: {  	v48 =	vld.idx.msk [tilespmem:v46+s5+$0x0], $0xffff;
	_ =	sdelay $0x4  }
0x131: {  	v47 =	vmul.f32 $5.200000000e+01, v47;
	v48 =	vmul.f32 $5.200000000e+01, v48;
	_ =	sdelay $0x1  }
0x132: {  	v56 =	vmul.f32 v48, v47;
	v57 =	vmin.f32 v47, $1.039999960e+00  }
0x133: {  	v58 =	vmin.f32 v48, $1.559999940e+00;
	v59 =	vmin.f32 v47, $2.599999900e+00;
	v60 =	vmin.f32 v48, $3.119999890e+00  }
0x134: {  	v47 =	vmin.f32 v47, $6.239999770e+00;
	v50 =	vmul.f32 v58, v57;
	v61 =	vadd.f32 $1.622400050e+00, v56  }
0x135: {  	v55 =	vld.idx.msk [tilespmem:v43+s5+$0x0], $0xffff;
	v48 =	vmin.f32 v48, $5.199999810e+00;
	v52 =	vmul.f32 v60, v59;
	v62 =	vadd.f32 $8.112000460e+00, v56  }
0x136: {  	v47 =	vmul.f32 v48, v47;
	v63 =	vadd.f32 $3.244800190e+01, v56;
	v51 =	vsub.f32 v61, v50  }
0x137: {  	v56 =	vld.idx.msk [tilespmem:v44+s5+$0x0], $0xffff;
	v54 =	vsub.f32 v62, v52  }
0x138: {  	v48 =	vsub.f32 v63, v47;
	(erf) = vrcp.f32 v51  }
0x139: {  	(erf) = vrcp.f32 v54  }
0x13a: {  	(erf) = vrcp.f32 v48;
	v48 =	vmul.f32 $5.200000000e+01, v55;
	_ =	sdelay $0x1  }
0x13b: {  	v49 =	vmul.f32 $5.200000000e+01, v56;
	v48 =	vtrunc.f32 v48  }
0x13c: {  	v60 =	vld.idx.msk [tilespmem:v42+s5+$0x0], $0xffff;
	v48 =	vcvt.f32.s32 v48  }
0x13d: {  	v49 =	vtrunc.f32 v49  }
0x13e: {  	v49 =	vcvt.f32.s32 v49;
	v48 =	vmul.u32 $0x34, v48;
	_ =	sdelay $0x1  }
0x13f: {  	v51 =	vpop (erf);
	v48 =	vadd.s32 v49, v48  }
0x140: {  	vm0 =	vgt.f32 v60, $-1.000000000e+00;
	v57 =	vpop (erf);
	v48 =	vsub.s32 v48, v0  }
0x141: {  	v50 =	vmul.f32 v51, v50;
	v51 =	vmul.f32 v57, v52;
	v58 =	vpop (erf);
	v63 =	vadd.s32 v9, v48  }
0x142: {  	v60 =	vadd.s32 v15, v48;
	v48 =	vadd.s32 v16, v48;
	v47 =	vmul.f32 v58, v47  }
0x143: {  	vm13 =	vgt.f32 v50, $5.000000000e-01;
	vm14 =	vlt.u32 v63, $0xFD8;
	v59 =	vmax.f32 v50, v51  }
0x144: {  	vm8 =	vgt.s32 v63, $0x0;
	vm9 =	vgt.f32 v51, $5.000000000e-01;
	v52 =	vmax.f32 v59, v47  }
0x145: {  	v59 =	vnsel vm8, $0x0, v63;
	vm1 =	veq.f32 v51, v52;
	vm10 =	veq.f32 v50, v52  }
0x146: {  	vm11 =	vne.f32 v50, v52;
	v61 =	vsel vm1, $0x1, v8;
	vm2 =	vmor vm13, vm10  }
0x147: {  	vm1 =	vmand vm11, vm1;
	vm11 =	vgt.s32 v60, $0x0;
	v54 =	vsel vm10, $0x0, v61  }
0x148: {  	vm2 =	vmand vm14, vm2;
	vm1 =	vmor vm9, vm1;
	v62 =	vmul.u32 $0xA90, v54  }
0x149: {  	vm10 =	vlt.u32 v60, $0xFD8;
	v61 =	vnsel vm11, $0x0, v60;
	vm14 =	vlt.u32 v48, $0xFD8  }
0x14a: {  	vm2 =	vmand vm0, vm2;
	vm1 =	vmand vm10, vm1;
	v49 =	vadd.s32 v62, v63  }
0x14b: {  	vm13 =	veq.s32 v54, $0x2;
	vm12 =	vgt.s32 v49, $0x0;
	vm15 =	vlt.u32 v49, $0xFD8  }
0x14c: {  	v57 =	vnsel vm12, $0x0, v49;
	vm5 =	vmand vm0, vm15;
	vm12 =	vgt.f32 v47, $5.000000000e-01  }
0x14d: {  	vm1 =	vmand vm0, vm1;
	v58 =	vmin.u32 v57, $0xFDF;
	vm3 =	vmor vm12, vm13  }
0x14e: {  	v62 =	vmin.u32 v59, $0xFDF;
	vm15 =	vgt.s32 v48, $0x0;
	vm3 =	vmand vm14, vm3  }
0x14f: {  	v63 =	vmin.u32 v61, $0xFDF;
	v48 =	vnsel vm15, $0x0, v48;
	vm0 =	vmand vm0, vm3  }
0x150: {  	[tilespmem:$0x2370] =	vst v52;
	v48 =	vmin.u32 v48, $0xFDF  }
0x151: {  	[tilespmem:$0x23F0] =	vst v54  }
0x152: {  	[tilespmem:v58+s10+$0x0] =	vst.idx.msk vm5, v2  }
0x153: {  	[tilespmem:v62+s11+$0x0] =	vst.idx.msk vm2, v1  }
0x154: {  	[tilespmem:v63+s11+$0x0] =	vst.idx.msk vm1, v1  }
0x155: {  	[tilespmem:v48+s11+$0x0] =	vst.idx.msk vm0, v1  }
0x156: {  	[hbm4b:s6+s5] =	stream.linear.scatter [tilespmem:s10], [sflag:$0x1], $0xFD8, $0x38;
	[tilespmem:$0x2400] =	vst v63  }
0x157: {  	_ =	swait.ge [sflag:s9], $0xFD8  }
0x158: {  	[sflag:s9] =	ssyncset.done $0x0  }
0x159: {  	[sflag:s9] =	ssyncadd.s32 $0xFFFFF028  }
0x15a: {  	[hbm4b:s7+s5] =	stream.linear.scatter [tilespmem:s11], [sflag:$0x1], $0xFD8, $0x38;
	[tilespmem:$0x2400] =	vst v63  }
0x15b: {  	_ =	swait.ge [sflag:s9], $0xFD8  }
0x15c: {  	[sflag:s9] =	ssyncset.done $0x0  }
0x15d: {  	s13 =	simm.s32 @!p0 $0x0;
	s14 =	simm.s32 @!p0 $0x2300;
	[sflag:s9] =	ssyncadd.s32 $0xFFFFF028  }
0x15e: {  	[hbm4b:s2+s13] =	stream.linear.scatter @!p0 [tilespmem:s14], [sflag:$0x1], $0x80, $0x38;
	[tilespmem:$0x2400] =	vst v63  }
0x15f: {  	s14 =	simm.s32 @!p0 $0x1  }
0x160: {  	s12 =	sadd.s32 $0x1, s12;
	_ =	swait.ge @!p0 [sflag:s14], $0x80  }
0x161: {  	p1 =	sne.s32 s12, s8;
	[sflag:s14] =	ssyncset.done @!p0 $0x0  }
.Ltmp1:
0x162: {  	s15 =	simm.s32 @!p0 $0x2380;
	[sflag:s14] =	ssyncadd.s32 @!p0 $0xFFFFFF80;
	(pc) =	sbr.rel @p1 .LBB2_1-.Ltmp1, $4  }
0x163: {  	[hbm4b:s4+s13] =	stream.linear.scatter @!p0 [tilespmem:s15], [sflag:$0x1], $0x80, $0x38;
	[tilespmem:$0x2400] =	vst v63  }
0x164: {  	_ =	swait.ge @!p0 [sflag:s14], $0x80  }
0x165: {  	[sflag:s14] =	ssyncset.done @!p0 $0x0  }
0x166: {  	[sflag:s14] =	ssyncadd.s32 @!p0 $0xFFFFFF80  }
0x167: {  	_ =	sfence.sel $0x180000  }
0x168: {  	[bflag:$0x0] =	sbarrier.arrive $0xFFFF  }
0x169: {  	p0 =	sne.s32 s0, $0x0;
	_ =	strace $0x90000047  }
0x16a: {  	s0 =	sadd.s32 @!p0 $0x100000, s3;
	[bflag:$0x2] =	sbarrier.arrive $0xFFFF  }
0x16b: {  	[sflag:s0] =	ssyncadd.tile.s32 @!p0 $0x1;
	_ =	shalt  }
.Lfunc_end2:
_tile_overlayer_lowered:
.L_overlay_start_2:
0x16c: {  	(tag) =	ssettag $0x2  }
0x16d: {  	s0 =	rddreg [dreg:$0x0];
	s2 =	stileid.u32  }
0x16e: {  	s1 =	rddreg [dreg:$0x1];
	p0 =	sne.s32 s2, $0x0  }
0x16f: {  	s3 =	rddreg [dreg:$0x2];
	[bflag:$0x3] =	sbarrier.arrive $0xFFFF;
	s2 =	simm.s32 @!p0 $0x1C01  }
0x170: {  	[timem:s3], [sflag:s2] =	dma.local @!p0 [hbm:s0], s1  }
0x171: {  	s0 =	simm.s32 @!p0 $0x1  }
0x172: {  	_ =	swait.ge @!p0 [sflag:s0], s1  }
0x173: {  	s1 =	ssub.s32 @!p0 $0x0, s1;
	[sflag:s0] =	ssyncset.done @!p0 $0x0  }
0x174: {  	[sflag:s0] =	ssyncadd.s32 @!p0 s1  }
0x175: {  	[bflag:$0x3] =	sbarrier.arrive $0xFFFF  }
0x176: {  	_ =	shalt  }

</sc_bundles>
